<compile_context>
chip_gen: v7x
topology: tpu7x:2x2x1
jax: 0.10.2.dev20260603
libtpu: 0.0.44.dev20260713+nightly
codegen_flags: <defaults>
</compile_context>

<pallas_src>
import jax
import jax.numpy as jnp
from jax import lax
from jax.experimental import pallas as pl
from jax.experimental.pallas import tpu as pltpu
from jax.experimental.pallas import tpu_sc as plsc
from jax.experimental.layout import Layout, with_layout_constraint

L = 16
NW = 32
B = 16384
N = 1000000
NBLK = 7816
NFW = NBLK * 512
BW = B // NW
ICH = 128
NCH = BW // ICH


def _body(ladj_hbm, aadj_hbm, lloc_hbm, aloc_hbm, ttc_hbm, cam_hbm, sen_hbm,
          out_hbm, tout_hbm,
          camv, w0, w1, w2, senv, gat, loc, outv, outt, ttcv, sem0, sem1):
    wid = lax.axis_index("s") * 2 + lax.axis_index("c")
    base = wid * BW

    pltpu.sync_copy(cam_hbm.at[pl.ds(wid * NCH, NCH)], camv)

    def build(g, carry):
        j = g // (ICH // L)
        sl = pl.ds((g % (ICH // L)) * L, L)
        cam = camv[j, sl]
        w = 512 * (cam >> 7) + (cam & 127)
        w0[j, sl] = w
        w1[j, sl] = w + 128
        w2[j, sl] = w + 256
        return carry

    lax.fori_loop(0, NCH * (ICH // L), build, 0)

    idxs = (w0, w1, w2)
    copies = []
    for j in range(NCH):
        dst = pl.ds(j * ICH, ICH)
        for c in range(3):
            copies.append(pltpu.async_copy(
                ladj_hbm.at[idxs[c].at[j]], gat.at[c].at[dst], sem0))
            copies.append(pltpu.async_copy(
                aadj_hbm.at[idxs[c].at[j]], gat.at[c + 3].at[dst], sem1))

    pltpu.sync_copy(sen_hbm.at[pl.ds(base, BW)], senv)
    for c in range(3):
        pltpu.sync_copy(lloc_hbm.at[pl.ds(c * B + base, BW)], loc.at[c])
        pltpu.sync_copy(aloc_hbm.at[pl.ds(c * B + base, BW)], loc.at[c + 3])
    pltpu.sync_copy(ttc_hbm, ttcv)

    def ttc_group(g, carry):
        sidx = senv[pl.ds(g * L, L)]
        outt[pl.ds(g * L, L)] = plsc.load_gather(ttcv, [sidx])
        return carry

    lax.fori_loop(0, BW // L, ttc_group, 0)

    for cp in copies:
        cp.wait()

    def combine(g, carry):
        sl = pl.ds(g * L, L)
        for c in range(6):
            outv[c, sl] = gat[c, sl] + loc[c, sl]
        return carry

    lax.fori_loop(0, BW // L, combine, 0)

    for c in range(6):
        pltpu.sync_copy(outv.at[c], out_hbm.at[c].at[pl.ds(base, BW)])
    pltpu.sync_copy(outt, tout_hbm.at[pl.ds(base, BW)])


def _flat_view(table):
    y = jnp.pad(table, ((0, NBLK * 128 - N), (0, 1)))
    y = y.reshape(NBLK, 128, 4)
    y = with_layout_constraint(y, Layout(major_to_minor=(0, 2, 1)))
    return y.transpose(0, 2, 1).reshape(-1)


@jax.jit
def kernel(linear_velocities_local, angular_velocities_local,
           linear_velocity_adjustment, angular_velocity_adjustment,
           time_to_center_pixel_adjustment, cam_idx, sensor_idx):
    run = pl.kernel(
        _body,
        out_type=(
            jax.ShapeDtypeStruct((6, B), jnp.float32),
            jax.ShapeDtypeStruct((B,), jnp.float32),
        ),
        mesh=plsc.VectorSubcoreMesh(core_axis_name="c", subcore_axis_name="s"),
        compiler_params=pltpu.CompilerParams(
            needs_layout_passes=False, use_tc_tiling_on_sc=False),
        scratch_types=[
            pltpu.VMEM((NCH, ICH), jnp.int32),
            pltpu.VMEM((NCH, ICH), jnp.int32),
            pltpu.VMEM((NCH, ICH), jnp.int32),
            pltpu.VMEM((NCH, ICH), jnp.int32),
            pltpu.VMEM((BW,), jnp.int32),
            pltpu.VMEM((6, BW), jnp.float32),
            pltpu.VMEM((6, BW), jnp.float32),
            pltpu.VMEM((6, BW), jnp.float32),
            pltpu.VMEM((BW,), jnp.float32),
            pltpu.VMEM((26,), jnp.float32),
            pltpu.SemaphoreType.DMA,
            pltpu.SemaphoreType.DMA,
        ],
    )
    out_t, ttc = run(
        _flat_view(linear_velocity_adjustment),
        _flat_view(angular_velocity_adjustment),
        linear_velocities_local.T.reshape(-1),
        angular_velocities_local.T.reshape(-1),
        time_to_center_pixel_adjustment,
        cam_idx.astype(jnp.int32).reshape(B // ICH, ICH),
        sensor_idx.astype(jnp.int32),
    )
    return out_t.T, ttc

# --- scband reference (transcript-rebuilt; emitter-appended) ---
"""Pipeline reference for scband-camera-velocity-optimizer-16509854286530 (READ-ONLY COPY).

The authoritative reference and input builder live on the scoring server;
editing this copy changes nothing except your own understanding.
"""

import jax, jax.numpy as jnp
import numpy as np

NUM_CAMERAS = 1000000
NUM_UNIQUE_CAMERAS = 26
BATCH = 16384


def setup_inputs(seed: int = 0) -> dict:
    key = jax.random.key(seed)
    k1, k2, k3, k4, k5, k6, k7 = jax.random.split(key, 7)
    # Learned parameters, sized/scaled per __init__ (enabled=True branch)
    linear_velocity_adjustment = (jax.random.uniform(k1, (NUM_CAMERAS, 3), dtype=jnp.float32) - 0.5) * 0.1
    angular_velocity_adjustment = (jax.random.uniform(k2, (NUM_CAMERAS, 3), dtype=jnp.float32) - 0.5) * 0.0001
    time_to_center_pixel_adjustment = (jax.random.uniform(k3, (NUM_UNIQUE_CAMERAS,), dtype=jnp.float32) - 0.5) * 1e-06
    # Camera metadata (batched rays / cameras)
    linear_velocities_local = jax.random.normal(k4, (BATCH, 3), dtype=jnp.float32)
    angular_velocities_local = jax.random.normal(k5, (BATCH, 3), dtype=jnp.float32)
    cam_idx = jax.random.randint(k6, (BATCH,), 0, NUM_CAMERAS)
    sensor_idx = jax.random.randint(k7, (BATCH,), 0, NUM_UNIQUE_CAMERAS)
    return {
        "linear_velocities_local": linear_velocities_local,
        "angular_velocities_local": angular_velocities_local,
        "linear_velocity_adjustment": linear_velocity_adjustment,
        "angular_velocity_adjustment": angular_velocity_adjustment,
        "time_to_center_pixel_adjustment": time_to_center_pixel_adjustment,
        "cam_idx": cam_idx,
        "sensor_idx": sensor_idx,
    }


def reference(linear_velocities_local, angular_velocities_local,
              linear_velocity_adjustment, angular_velocity_adjustment,
              time_to_center_pixel_adjustment, cam_idx, sensor_idx):
    # apply_to_camera_velocity (enabled, not return_init_only, cam_idx present):
    # init_velocities = hstack([linear_velocities_local, angular_velocities_local])
    init_velocities = jnp.concatenate([linear_velocities_local, angular_velocities_local], axis=-1)
    # adj = cat([linear_adj[cam_idx, :], angular_adj[cam_idx, :]]) gathered per camera
    adj = jnp.concatenate([
        jnp.take(linear_velocity_adjustment, cam_idx, axis=0),
        jnp.take(angular_velocity_adjustment, cam_idx, axis=0),
    ], axis=-1)
    velocities = init_velocities + adj
    # get_time_to_center_pixel_adjustment: table[sensor_idx]
    ttc_adjustment = jnp.take(time_to_center_pixel_adjustment, sensor_idx, axis=0)
    return velocities, ttc_adjustment

if __name__ == "__main__":
    import jax
    _d = setup_inputs()
    print(jax.jit(kernel)(*tuple(_d.values())))

</pallas_src>

<mosaic_0001>
#map = affine_map<(d0, d1) -> (0)>
#map1 = affine_map<(d0, d1) -> (0, 0)>
module attributes {stable_mosaic.version = 14 : i64} {
  func.func @_body(%arg0: i32, %arg1: i32, %arg2: memref<4001792xf32, #tpu.memory_space<hbm>>, %arg3: memref<4001792xf32, #tpu.memory_space<hbm>>, %arg4: memref<49152xf32, #tpu.memory_space<hbm>>, %arg5: memref<49152xf32, #tpu.memory_space<hbm>>, %arg6: memref<26xf32, #tpu.memory_space<hbm>>, %arg7: memref<128x128xi32, #tpu.memory_space<hbm>>, %arg8: memref<16384xi32, #tpu.memory_space<hbm>>, %arg9: memref<6x16384xf32, #tpu.memory_space<hbm>>, %arg10: memref<16384xf32, #tpu.memory_space<hbm>>, %arg11: memref<4x128xi32, #tpu.memory_space<vmem>>, %arg12: memref<4x128xi32, #tpu.memory_space<vmem>>, %arg13: memref<4x128xi32, #tpu.memory_space<vmem>>, %arg14: memref<4x128xi32, #tpu.memory_space<vmem>>, %arg15: memref<512xi32, #tpu.memory_space<vmem>>, %arg16: memref<6x512xf32, #tpu.memory_space<vmem>>, %arg17: memref<6x512xf32, #tpu.memory_space<vmem>>, %arg18: memref<6x512xf32, #tpu.memory_space<vmem>>, %arg19: memref<512xf32, #tpu.memory_space<vmem>>, %arg20: memref<26xf32, #tpu.memory_space<vmem>>, %arg21: memref<!tpu.dma_semaphore, #tpu.memory_space<semaphore_mem>>, %arg22: memref<!tpu.dma_semaphore, #tpu.memory_space<semaphore_mem>>) attributes {dimension_semantics = [#tpu.dimension_semantics<core_parallel>, #tpu.dimension_semantics<subcore_parallel>], iteration_bounds = array<i64: 2, 16>, scalar_prefetch = 0 : i64, scratch_operands = 12 : i64, tpu.core_type = #tpu.core_type<sc_vector_subcore>, window_params = [{transform_indices = #map}, {transform_indices = #map}, {transform_indices = #map}, {transform_indices = #map}, {transform_indices = #map}, {transform_indices = #map1}, {transform_indices = #map}, {transform_indices = #map1}, {transform_indices = #map}]} {
    %mul3A = arith.constant 2 : i32
    %mul3A_0 = arith.muli %arg1, %mul3A : i32
    %add3A = arith.addi %mul3A_0, %arg0 : i32
    %mul3A_1 = arith.constant 512 : i32
    %mul3A_2 = arith.muli %add3A, %mul3A_1 : i32
    %mul3A_3 = arith.constant 4 : i32
    %mul3A_4 = arith.muli %add3A, %mul3A_3 : i32
    "tpu.region"() ({
      %run_scoped3A_625 = tpu.sem_alloc : memref<!tpu.dma_semaphore, #tpu.memory_space<semaphore_mem>>
      %dma_start3A_626 = arith.constant 0 : i32
      %dma_start3A_627 = tpu.memref_slice %arg7[%mul3A_4, %dma_start3A_626] : memref<128x128xi32, #tpu.memory_space<hbm>> -> memref<4x128xi32, #tpu.memory_space<hbm>>
      %dma_start3A_628 = arith.constant 0 : i32
      %dma_start3A_629 = tpu.memref_slice %arg7[%mul3A_4, %dma_start3A_628] : memref<128x128xi32, #tpu.memory_space<hbm>> -> memref<4x128xi32, #tpu.memory_space<hbm>>
      tpu.enqueue_dma source(%dma_start3A_629 : memref<4x128xi32, #tpu.memory_space<hbm>>) target(%arg11 : memref<4x128xi32, #tpu.memory_space<vmem>>) target_semaphore(%run_scoped3A_625 : memref<!tpu.dma_semaphore, #tpu.memory_space<semaphore_mem>>)
      %dma_wait3A_630 = arith.constant 0 : i32
      %dma_wait3A_631 = tpu.memref_slice %arg7[%mul3A_4, %dma_wait3A_630] : memref<128x128xi32, #tpu.memory_space<hbm>> -> memref<4x128xi32, #tpu.memory_space<hbm>>
      %dma_wait3A_632 = arith.constant 0 : i32
      %dma_wait3A_633 = tpu.memref_slice %arg7[%mul3A_4, %dma_wait3A_632] : memref<128x128xi32, #tpu.memory_space<hbm>> -> memref<4x128xi32, #tpu.memory_space<hbm>>
      tpu.wait_dma2 semaphore(%run_scoped3A_625 : memref<!tpu.dma_semaphore, #tpu.memory_space<semaphore_mem>>) src(%dma_wait3A_633 : memref<4x128xi32, #tpu.memory_space<hbm>>) dst(%arg11 : memref<4x128xi32, #tpu.memory_space<vmem>>)
      tpu.yield
    }) : () -> ()
    %scan3A = arith.constant 0 : i32
    %scan3A_5 = arith.constant 0 : i32
    %scan3A_6 = arith.constant 32 : i32
    %scan3A_7 = arith.addi %scan3A_5, %scan3A_6 : i32
    %scan3A_8 = arith.constant 1 : i32
    scf.for %scan3A_625 = %scan3A_5 to %scan3A_7 step %scan3A_8  : i32 {
      %jit3A = arith.constant 8 : i32
      %div3A = arith.divsi %scan3A_625, %jit3A : i32
      %sign3A = arith.constant 0 : i32
      %sign3A_626 = arith.cmpi sgt, %scan3A_625, %sign3A : i32
      %sign3A_627 = arith.extui %sign3A_626 : i1 to i32
      %sign3A_628 = arith.constant 0 : i32
      %sign3A_629 = arith.cmpi slt, %scan3A_625, %sign3A_628 : i32
      %sign3A_630 = arith.extui %sign3A_629 : i1 to i32
      %sign3A_631 = arith.subi %sign3A_627, %sign3A_630 : i32
      %sign3A_632 = arith.constant 0 : i32
      %sign3A_633 = arith.cmpi sgt, %jit3A, %sign3A_632 : i32
      %sign3A_634 = arith.extui %sign3A_633 : i1 to i32
      %sign3A_635 = arith.constant 0 : i32
      %sign3A_636 = arith.cmpi slt, %jit3A, %sign3A_635 : i32
      %sign3A_637 = arith.extui %sign3A_636 : i1 to i32
      %sign3A_638 = arith.subi %sign3A_634, %sign3A_637 : i32
      %ne3A = arith.cmpi ne, %sign3A_631, %sign3A_638 : i32
      %rem3A = arith.remsi %scan3A_625, %jit3A : i32
      %ne3A_639 = arith.constant 0 : i32
      %ne3A_640 = arith.cmpi ne, %rem3A, %ne3A_639 : i32
      %and3A = arith.andi %ne3A, %ne3A_640 : i1
      %sub3A = arith.constant 1 : i32
      %sub3A_641 = arith.subi %div3A, %sub3A : i32
      %select_n3A = arith.select %and3A, %sub3A_641, %div3A : i32
      %jit3A_642 = arith.constant 8 : i32
      %eq3A = arith.constant 0 : i32
      %eq3A_643 = arith.cmpi eq, %jit3A_642, %eq3A : i32
      %jit3A_644 = arith.constant 1 : i32
      %select_n3A_645 = arith.select %eq3A_643, %jit3A_644, %jit3A_642 : i32
      %rem3A_646 = arith.remsi %scan3A_625, %select_n3A_645 : i32
      %ne3A_647 = arith.constant 0 : i32
      %ne3A_648 = arith.cmpi ne, %rem3A_646, %ne3A_647 : i32
      %lt3A = arith.constant 0 : i32
      %lt3A_649 = arith.cmpi slt, %rem3A_646, %lt3A : i32
      %lt3A_650 = arith.constant 0 : i32
      %lt3A_651 = arith.cmpi slt, %select_n3A_645, %lt3A_650 : i32
      %ne3A_652 = arith.xori %lt3A_649, %lt3A_651 : i1
      %and3A_653 = arith.andi %ne3A_652, %ne3A_648 : i1
      %add3A_654 = arith.addi %rem3A_646, %select_n3A_645 : i32
      %select_n3A_655 = arith.select %and3A_653, %add3A_654, %rem3A_646 : i32
      %mul3A_656 = arith.constant 16 : i32
      %mul3A_657 = arith.muli %select_n3A_655, %mul3A_656 : i32
      %get3A = arith.index_cast %select_n3A : i32 to index
      %get3A_658 = arith.index_cast %mul3A_657 : i32 to index
      %get3A_659 = tpu.vector_load %arg11[%get3A, %get3A_658] {strides = array<i32>} : memref<4x128xi32, #tpu.memory_space<vmem>>, vector<16xi32>,
      %shift_right_arithmetic3A = arith.constant 7 : i32
      %shift_right_arithmetic3A_660 = vector.broadcast %shift_right_arithmetic3A : i32 to vector<16xi32>
      %shift_right_arithmetic3A_661 = arith.shrsi %get3A_659, %shift_right_arithmetic3A_660 : vector<16xi32>
      %mul3A_662 = arith.constant 512 : i32
      %mul3A_663 = vector.broadcast %mul3A_662 : i32 to vector<16xi32>
      %mul3A_664 = arith.muli %mul3A_663, %shift_right_arithmetic3A_661 : vector<16xi32>
      %and3A_665 = arith.constant 127 : i32
      %and3A_666 = vector.broadcast %and3A_665 : i32 to vector<16xi32>
      %and3A_667 = arith.andi %get3A_659, %and3A_666 : vector<16xi32>
      %add3A_668 = arith.addi %mul3A_664, %and3A_667 : vector<16xi32>
      %swap3A = arith.index_cast %select_n3A : i32 to index
      %swap3A_669 = arith.index_cast %mul3A_657 : i32 to index
      %swap3A_670 = tpu.vector_load %arg12[%swap3A, %swap3A_669] {strides = array<i32>} : memref<4x128xi32, #tpu.memory_space<vmem>>, vector<16xi32>,
      tpu.vector_store %arg12[%swap3A, %swap3A_669], %add3A_668 {strides = array<i32>} : memref<4x128xi32, #tpu.memory_space<vmem>>, vector<16xi32>,
      %add3A_671 = arith.constant 128 : i32
      %add3A_672 = vector.broadcast %add3A_671 : i32 to vector<16xi32>
      %add3A_673 = arith.addi %add3A_668, %add3A_672 : vector<16xi32>
      %swap3A_674 = arith.index_cast %select_n3A : i32 to index
      %swap3A_675 = arith.index_cast %mul3A_657 : i32 to index
      %swap3A_676 = tpu.vector_load %arg13[%swap3A_674, %swap3A_675] {strides = array<i32>} : memref<4x128xi32, #tpu.memory_space<vmem>>, vector<16xi32>,
      tpu.vector_store %arg13[%swap3A_674, %swap3A_675], %add3A_673 {strides = array<i32>} : memref<4x128xi32, #tpu.memory_space<vmem>>, vector<16xi32>,
      %add3A_677 = arith.constant 256 : i32
      %add3A_678 = vector.broadcast %add3A_677 : i32 to vector<16xi32>
      %add3A_679 = arith.addi %add3A_668, %add3A_678 : vector<16xi32>
      %swap3A_680 = arith.index_cast %select_n3A : i32 to index
      %swap3A_681 = arith.index_cast %mul3A_657 : i32 to index
      %swap3A_682 = tpu.vector_load %arg14[%swap3A_680, %swap3A_681] {strides = array<i32>} : memref<4x128xi32, #tpu.memory_space<vmem>>, vector<16xi32>,
      tpu.vector_store %arg14[%swap3A_680, %swap3A_681], %add3A_679 {strides = array<i32>} : memref<4x128xi32, #tpu.memory_space<vmem>>, vector<16xi32>,
    }
    %scan3A_9 = arith.constant 32 : i32
    %dma_start3A = arith.constant 0 : i32
    %dma_start3A_10 = arith.constant 0 : i32
    %dma_start3A_11 = arith.constant 0 : i32
    %dma_start3A_12 = tpu.memref_slice %arg16[%dma_start3A_10, %dma_start3A_11] : memref<6x512xf32, #tpu.memory_space<vmem>> -> memref<1x512xf32, #tpu.memory_space<vmem>>
    %dma_start3A_13 = tpu.memref_squeeze %dma_start3A_12 : memref<1x512xf32, #tpu.memory_space<vmem>> -> memref<512xf32, #tpu.memory_space<vmem>>
    %dma_start3A_14 = arith.constant 0 : i32
    %dma_start3A_15 = tpu.memref_slice %dma_start3A_13[%dma_start3A_14] : memref<512xf32, #tpu.memory_space<vmem>> -> memref<128xf32, #tpu.memory_space<vmem>>
    %dma_start3A_16 = arith.constant 0 : i32
    %dma_start3A_17 = tpu.memref_slice %arg12[%dma_start3A, %dma_start3A_16] : memref<4x128xi32, #tpu.memory_space<vmem>> -> memref<1x128xi32, #tpu.memory_space<vmem>>
    %dma_start3A_18 = tpu.memref_squeeze %dma_start3A_17 : memref<1x128xi32, #tpu.memory_space<vmem>> -> memref<128xi32, #tpu.memory_space<vmem>>
    %dma_start3A_19 = arith.constant 0 : i32
    %dma_start3A_20 = tpu.memref_slice %arg2[%dma_start3A_19] : memref<4001792xf32, #tpu.memory_space<hbm>> -> memref<4001792xf32, #tpu.memory_space<hbm>>
    tpu.enqueue_indirect_dma source(%dma_start3A_20 : memref<4001792xf32, #tpu.memory_space<hbm>>) target(%dma_start3A_15 : memref<128xf32, #tpu.memory_space<vmem>>) offsets(%dma_start3A_18 : memref<128xi32, #tpu.memory_space<vmem>>) semaphore(%arg21 : memref<!tpu.dma_semaphore, #tpu.memory_space<semaphore_mem>>)
    %dma_start3A_21 = arith.constant 0 : i32
    %dma_start3A_22 = arith.constant 3 : i32
    %dma_start3A_23 = arith.constant 0 : i32
    %dma_start3A_24 = tpu.memref_slice %arg16[%dma_start3A_22, %dma_start3A_23] : memref<6x512xf32, #tpu.memory_space<vmem>> -> memref<1x512xf32, #tpu.memory_space<vmem>>
    %dma_start3A_25 = tpu.memref_squeeze %dma_start3A_24 : memref<1x512xf32, #tpu.memory_space<vmem>> -> memref<512xf32, #tpu.memory_space<vmem>>
    %dma_start3A_26 = arith.constant 0 : i32
    %dma_start3A_27 = tpu.memref_slice %dma_start3A_25[%dma_start3A_26] : memref<512xf32, #tpu.memory_space<vmem>> -> memref<128xf32, #tpu.memory_space<vmem>>
    %dma_start3A_28 = arith.constant 0 : i32
    %dma_start3A_29 = tpu.memref_slice %arg12[%dma_start3A_21, %dma_start3A_28] : memref<4x128xi32, #tpu.memory_space<vmem>> -> memref<1x128xi32, #tpu.memory_space<vmem>>
    %dma_start3A_30 = tpu.memref_squeeze %dma_start3A_29 : memref<1x128xi32, #tpu.memory_space<vmem>> -> memref<128xi32, #tpu.memory_space<vmem>>
    %dma_start3A_31 = arith.constant 0 : i32
    %dma_start3A_32 = tpu.memref_slice %arg3[%dma_start3A_31] : memref<4001792xf32, #tpu.memory_space<hbm>> -> memref<4001792xf32, #tpu.memory_space<hbm>>
    tpu.enqueue_indirect_dma source(%dma_start3A_32 : memref<4001792xf32, #tpu.memory_space<hbm>>) target(%dma_start3A_27 : memref<128xf32, #tpu.memory_space<vmem>>) offsets(%dma_start3A_30 : memref<128xi32, #tpu.memory_space<vmem>>) semaphore(%arg22 : memref<!tpu.dma_semaphore, #tpu.memory_space<semaphore_mem>>)
    %dma_start3A_33 = arith.constant 0 : i32
    %dma_start3A_34 = arith.constant 1 : i32
    %dma_start3A_35 = arith.constant 0 : i32
    %dma_start3A_36 = tpu.memref_slice %arg16[%dma_start3A_34, %dma_start3A_35] : memref<6x512xf32, #tpu.memory_space<vmem>> -> memref<1x512xf32, #tpu.memory_space<vmem>>
    %dma_start3A_37 = tpu.memref_squeeze %dma_start3A_36 : memref<1x512xf32, #tpu.memory_space<vmem>> -> memref<512xf32, #tpu.memory_space<vmem>>
    %dma_start3A_38 = arith.constant 0 : i32
    %dma_start3A_39 = tpu.memref_slice %dma_start3A_37[%dma_start3A_38] : memref<512xf32, #tpu.memory_space<vmem>> -> memref<128xf32, #tpu.memory_space<vmem>>
    %dma_start3A_40 = arith.constant 0 : i32
    %dma_start3A_41 = tpu.memref_slice %arg13[%dma_start3A_33, %dma_start3A_40] : memref<4x128xi32, #tpu.memory_space<vmem>> -> memref<1x128xi32, #tpu.memory_space<vmem>>
    %dma_start3A_42 = tpu.memref_squeeze %dma_start3A_41 : memref<1x128xi32, #tpu.memory_space<vmem>> -> memref<128xi32, #tpu.memory_space<vmem>>
    %dma_start3A_43 = arith.constant 0 : i32
    %dma_start3A_44 = tpu.memref_slice %arg2[%dma_start3A_43] : memref<4001792xf32, #tpu.memory_space<hbm>> -> memref<4001792xf32, #tpu.memory_space<hbm>>
    tpu.enqueue_indirect_dma source(%dma_start3A_44 : memref<4001792xf32, #tpu.memory_space<hbm>>) target(%dma_start3A_39 : memref<128xf32, #tpu.memory_space<vmem>>) offsets(%dma_start3A_42 : memref<128xi32, #tpu.memory_space<vmem>>) semaphore(%arg21 : memref<!tpu.dma_semaphore, #tpu.memory_space<semaphore_mem>>)
    %dma_start3A_45 = arith.constant 0 : i32
    %dma_start3A_46 = arith.constant 4 : i32
    %dma_start3A_47 = arith.constant 0 : i32
    %dma_start3A_48 = tpu.memref_slice %arg16[%dma_start3A_46, %dma_start3A_47] : memref<6x512xf32, #tpu.memory_space<vmem>> -> memref<1x512xf32, #tpu.memory_space<vmem>>
    %dma_start3A_49 = tpu.memref_squeeze %dma_start3A_48 : memref<1x512xf32, #tpu.memory_space<vmem>> -> memref<512xf32, #tpu.memory_space<vmem>>
    %dma_start3A_50 = arith.constant 0 : i32
    %dma_start3A_51 = tpu.memref_slice %dma_start3A_49[%dma_start3A_50] : memref<512xf32, #tpu.memory_space<vmem>> -> memref<128xf32, #tpu.memory_space<vmem>>
    %dma_start3A_52 = arith.constant 0 : i32
    %dma_start3A_53 = tpu.memref_slice %arg13[%dma_start3A_45, %dma_start3A_52] : memref<4x128xi32, #tpu.memory_space<vmem>> -> memref<1x128xi32, #tpu.memory_space<vmem>>
    %dma_start3A_54 = tpu.memref_squeeze %dma_start3A_53 : memref<1x128xi32, #tpu.memory_space<vmem>> -> memref<128xi32, #tpu.memory_space<vmem>>
    %dma_start3A_55 = arith.constant 0 : i32
    %dma_start3A_56 = tpu.memref_slice %arg3[%dma_start3A_55] : memref<4001792xf32, #tpu.memory_space<hbm>> -> memref<4001792xf32, #tpu.memory_space<hbm>>
    tpu.enqueue_indirect_dma source(%dma_start3A_56 : memref<4001792xf32, #tpu.memory_space<hbm>>) target(%dma_start3A_51 : memref<128xf32, #tpu.memory_space<vmem>>) offsets(%dma_start3A_54 : memref<128xi32, #tpu.memory_space<vmem>>) semaphore(%arg22 : memref<!tpu.dma_semaphore, #tpu.memory_space<semaphore_mem>>)
    %dma_start3A_57 = arith.constant 0 : i32
    %dma_start3A_58 = arith.constant 2 : i32
    %dma_start3A_59 = arith.constant 0 : i32
    %dma_start3A_60 = tpu.memref_slice %arg16[%dma_start3A_58, %dma_start3A_59] : memref<6x512xf32, #tpu.memory_space<vmem>> -> memref<1x512xf32, #tpu.memory_space<vmem>>
    %dma_start3A_61 = tpu.memref_squeeze %dma_start3A_60 : memref<1x512xf32, #tpu.memory_space<vmem>> -> memref<512xf32, #tpu.memory_space<vmem>>
    %dma_start3A_62 = arith.constant 0 : i32
    %dma_start3A_63 = tpu.memref_slice %dma_start3A_61[%dma_start3A_62] : memref<512xf32, #tpu.memory_space<vmem>> -> memref<128xf32, #tpu.memory_space<vmem>>
    %dma_start3A_64 = arith.constant 0 : i32
    %dma_start3A_65 = tpu.memref_slice %arg14[%dma_start3A_57, %dma_start3A_64] : memref<4x128xi32, #tpu.memory_space<vmem>> -> memref<1x128xi32, #tpu.memory_space<vmem>>
    %dma_start3A_66 = tpu.memref_squeeze %dma_start3A_65 : memref<1x128xi32, #tpu.memory_space<vmem>> -> memref<128xi32, #tpu.memory_space<vmem>>
    %dma_start3A_67 = arith.constant 0 : i32
    %dma_start3A_68 = tpu.memref_slice %arg2[%dma_start3A_67] : memref<4001792xf32, #tpu.memory_space<hbm>> -> memref<4001792xf32, #tpu.memory_space<hbm>>
    tpu.enqueue_indirect_dma source(%dma_start3A_68 : memref<4001792xf32, #tpu.memory_space<hbm>>) target(%dma_start3A_63 : memref<128xf32, #tpu.memory_space<vmem>>) offsets(%dma_start3A_66 : memref<128xi32, #tpu.memory_space<vmem>>) semaphore(%arg21 : memref<!tpu.dma_semaphore, #tpu.memory_space<semaphore_mem>>)
    %dma_start3A_69 = arith.constant 0 : i32
    %dma_start3A_70 = arith.constant 5 : i32
    %dma_start3A_71 = arith.constant 0 : i32
    %dma_start3A_72 = tpu.memref_slice %arg16[%dma_start3A_70, %dma_start3A_71] : memref<6x512xf32, #tpu.memory_space<vmem>> -> memref<1x512xf32, #tpu.memory_space<vmem>>
    %dma_start3A_73 = tpu.memref_squeeze %dma_start3A_72 : memref<1x512xf32, #tpu.memory_space<vmem>> -> memref<512xf32, #tpu.memory_space<vmem>>
    %dma_start3A_74 = arith.constant 0 : i32
    %dma_start3A_75 = tpu.memref_slice %dma_start3A_73[%dma_start3A_74] : memref<512xf32, #tpu.memory_space<vmem>> -> memref<128xf32, #tpu.memory_space<vmem>>
    %dma_start3A_76 = arith.constant 0 : i32
    %dma_start3A_77 = tpu.memref_slice %arg14[%dma_start3A_69, %dma_start3A_76] : memref<4x128xi32, #tpu.memory_space<vmem>> -> memref<1x128xi32, #tpu.memory_space<vmem>>
    %dma_start3A_78 = tpu.memref_squeeze %dma_start3A_77 : memref<1x128xi32, #tpu.memory_space<vmem>> -> memref<128xi32, #tpu.memory_space<vmem>>
    %dma_start3A_79 = arith.constant 0 : i32
    %dma_start3A_80 = tpu.memref_slice %arg3[%dma_start3A_79] : memref<4001792xf32, #tpu.memory_space<hbm>> -> memref<4001792xf32, #tpu.memory_space<hbm>>
    tpu.enqueue_indirect_dma source(%dma_start3A_80 : memref<4001792xf32, #tpu.memory_space<hbm>>) target(%dma_start3A_75 : memref<128xf32, #tpu.memory_space<vmem>>) offsets(%dma_start3A_78 : memref<128xi32, #tpu.memory_space<vmem>>) semaphore(%arg22 : memref<!tpu.dma_semaphore, #tpu.memory_space<semaphore_mem>>)
    %dma_start3A_81 = arith.constant 1 : i32
    %dma_start3A_82 = arith.constant 0 : i32
    %dma_start3A_83 = arith.constant 0 : i32
    %dma_start3A_84 = tpu.memref_slice %arg16[%dma_start3A_82, %dma_start3A_83] : memref<6x512xf32, #tpu.memory_space<vmem>> -> memref<1x512xf32, #tpu.memory_space<vmem>>
    %dma_start3A_85 = tpu.memref_squeeze %dma_start3A_84 : memref<1x512xf32, #tpu.memory_space<vmem>> -> memref<512xf32, #tpu.memory_space<vmem>>
    %dma_start3A_86 = arith.constant 128 : i32
    %dma_start3A_87 = tpu.memref_slice %dma_start3A_85[%dma_start3A_86] : memref<512xf32, #tpu.memory_space<vmem>> -> memref<128xf32, #tpu.memory_space<vmem>>
    %dma_start3A_88 = arith.constant 0 : i32
    %dma_start3A_89 = tpu.memref_slice %arg12[%dma_start3A_81, %dma_start3A_88] : memref<4x128xi32, #tpu.memory_space<vmem>> -> memref<1x128xi32, #tpu.memory_space<vmem>>
    %dma_start3A_90 = tpu.memref_squeeze %dma_start3A_89 : memref<1x128xi32, #tpu.memory_space<vmem>> -> memref<128xi32, #tpu.memory_space<vmem>>
    %dma_start3A_91 = arith.constant 0 : i32
    %dma_start3A_92 = tpu.memref_slice %arg2[%dma_start3A_91] : memref<4001792xf32, #tpu.memory_space<hbm>> -> memref<4001792xf32, #tpu.memory_space<hbm>>
    tpu.enqueue_indirect_dma source(%dma_start3A_92 : memref<4001792xf32, #tpu.memory_space<hbm>>) target(%dma_start3A_87 : memref<128xf32, #tpu.memory_space<vmem>>) offsets(%dma_start3A_90 : memref<128xi32, #tpu.memory_space<vmem>>) semaphore(%arg21 : memref<!tpu.dma_semaphore, #tpu.memory_space<semaphore_mem>>)
    %dma_start3A_93 = arith.constant 1 : i32
    %dma_start3A_94 = arith.constant 3 : i32
    %dma_start3A_95 = arith.constant 0 : i32
    %dma_start3A_96 = tpu.memref_slice %arg16[%dma_start3A_94, %dma_start3A_95] : memref<6x512xf32, #tpu.memory_space<vmem>> -> memref<1x512xf32, #tpu.memory_space<vmem>>
    %dma_start3A_97 = tpu.memref_squeeze %dma_start3A_96 : memref<1x512xf32, #tpu.memory_space<vmem>> -> memref<512xf32, #tpu.memory_space<vmem>>
    %dma_start3A_98 = arith.constant 128 : i32
    %dma_start3A_99 = tpu.memref_slice %dma_start3A_97[%dma_start3A_98] : memref<512xf32, #tpu.memory_space<vmem>> -> memref<128xf32, #tpu.memory_space<vmem>>
    %dma_start3A_100 = arith.constant 0 : i32
    %dma_start3A_101 = tpu.memref_slice %arg12[%dma_start3A_93, %dma_start3A_100] : memref<4x128xi32, #tpu.memory_space<vmem>> -> memref<1x128xi32, #tpu.memory_space<vmem>>
    %dma_start3A_102 = tpu.memref_squeeze %dma_start3A_101 : memref<1x128xi32, #tpu.memory_space<vmem>> -> memref<128xi32, #tpu.memory_space<vmem>>
    %dma_start3A_103 = arith.constant 0 : i32
    %dma_start3A_104 = tpu.memref_slice %arg3[%dma_start3A_103] : memref<4001792xf32, #tpu.memory_space<hbm>> -> memref<4001792xf32, #tpu.memory_space<hbm>>
    tpu.enqueue_indirect_dma source(%dma_start3A_104 : memref<4001792xf32, #tpu.memory_space<hbm>>) target(%dma_start3A_99 : memref<128xf32, #tpu.memory_space<vmem>>) offsets(%dma_start3A_102 : memref<128xi32, #tpu.memory_space<vmem>>) semaphore(%arg22 : memref<!tpu.dma_semaphore, #tpu.memory_space<semaphore_mem>>)
    %dma_start3A_105 = arith.constant 1 : i32
    %dma_start3A_106 = arith.constant 1 : i32
    %dma_start3A_107 = arith.constant 0 : i32
    %dma_start3A_108 = tpu.memref_slice %arg16[%dma_start3A_106, %dma_start3A_107] : memref<6x512xf32, #tpu.memory_space<vmem>> -> memref<1x512xf32, #tpu.memory_space<vmem>>
    %dma_start3A_109 = tpu.memref_squeeze %dma_start3A_108 : memref<1x512xf32, #tpu.memory_space<vmem>> -> memref<512xf32, #tpu.memory_space<vmem>>
    %dma_start3A_110 = arith.constant 128 : i32
    %dma_start3A_111 = tpu.memref_slice %dma_start3A_109[%dma_start3A_110] : memref<512xf32, #tpu.memory_space<vmem>> -> memref<128xf32, #tpu.memory_space<vmem>>
    %dma_start3A_112 = arith.constant 0 : i32
    %dma_start3A_113 = tpu.memref_slice %arg13[%dma_start3A_105, %dma_start3A_112] : memref<4x128xi32, #tpu.memory_space<vmem>> -> memref<1x128xi32, #tpu.memory_space<vmem>>
    %dma_start3A_114 = tpu.memref_squeeze %dma_start3A_113 : memref<1x128xi32, #tpu.memory_space<vmem>> -> memref<128xi32, #tpu.memory_space<vmem>>
    %dma_start3A_115 = arith.constant 0 : i32
    %dma_start3A_116 = tpu.memref_slice %arg2[%dma_start3A_115] : memref<4001792xf32, #tpu.memory_space<hbm>> -> memref<4001792xf32, #tpu.memory_space<hbm>>
    tpu.enqueue_indirect_dma source(%dma_start3A_116 : memref<4001792xf32, #tpu.memory_space<hbm>>) target(%dma_start3A_111 : memref<128xf32, #tpu.memory_space<vmem>>) offsets(%dma_start3A_114 : memref<128xi32, #tpu.memory_space<vmem>>) semaphore(%arg21 : memref<!tpu.dma_semaphore, #tpu.memory_space<semaphore_mem>>)
    %dma_start3A_117 = arith.constant 1 : i32
    %dma_start3A_118 = arith.constant 4 : i32
    %dma_start3A_119 = arith.constant 0 : i32
    %dma_start3A_120 = tpu.memref_slice %arg16[%dma_start3A_118, %dma_start3A_119] : memref<6x512xf32, #tpu.memory_space<vmem>> -> memref<1x512xf32, #tpu.memory_space<vmem>>
    %dma_start3A_121 = tpu.memref_squeeze %dma_start3A_120 : memref<1x512xf32, #tpu.memory_space<vmem>> -> memref<512xf32, #tpu.memory_space<vmem>>
    %dma_start3A_122 = arith.constant 128 : i32
    %dma_start3A_123 = tpu.memref_slice %dma_start3A_121[%dma_start3A_122] : memref<512xf32, #tpu.memory_space<vmem>> -> memref<128xf32, #tpu.memory_space<vmem>>
    %dma_start3A_124 = arith.constant 0 : i32
    %dma_start3A_125 = tpu.memref_slice %arg13[%dma_start3A_117, %dma_start3A_124] : memref<4x128xi32, #tpu.memory_space<vmem>> -> memref<1x128xi32, #tpu.memory_space<vmem>>
    %dma_start3A_126 = tpu.memref_squeeze %dma_start3A_125 : memref<1x128xi32, #tpu.memory_space<vmem>> -> memref<128xi32, #tpu.memory_space<vmem>>
    %dma_start3A_127 = arith.constant 0 : i32
    %dma_start3A_128 = tpu.memref_slice %arg3[%dma_start3A_127] : memref<4001792xf32, #tpu.memory_space<hbm>> -> memref<4001792xf32, #tpu.memory_space<hbm>>
    tpu.enqueue_indirect_dma source(%dma_start3A_128 : memref<4001792xf32, #tpu.memory_space<hbm>>) target(%dma_start3A_123 : memref<128xf32, #tpu.memory_space<vmem>>) offsets(%dma_start3A_126 : memref<128xi32, #tpu.memory_space<vmem>>) semaphore(%arg22 : memref<!tpu.dma_semaphore, #tpu.memory_space<semaphore_mem>>)
    %dma_start3A_129 = arith.constant 1 : i32
    %dma_start3A_130 = arith.constant 2 : i32
    %dma_start3A_131 = arith.constant 0 : i32
    %dma_start3A_132 = tpu.memref_slice %arg16[%dma_start3A_130, %dma_start3A_131] : memref<6x512xf32, #tpu.memory_space<vmem>> -> memref<1x512xf32, #tpu.memory_space<vmem>>
    %dma_start3A_133 = tpu.memref_squeeze %dma_start3A_132 : memref<1x512xf32, #tpu.memory_space<vmem>> -> memref<512xf32, #tpu.memory_space<vmem>>
    %dma_start3A_134 = arith.constant 128 : i32
    %dma_start3A_135 = tpu.memref_slice %dma_start3A_133[%dma_start3A_134] : memref<512xf32, #tpu.memory_space<vmem>> -> memref<128xf32, #tpu.memory_space<vmem>>
    %dma_start3A_136 = arith.constant 0 : i32
    %dma_start3A_137 = tpu.memref_slice %arg14[%dma_start3A_129, %dma_start3A_136] : memref<4x128xi32, #tpu.memory_space<vmem>> -> memref<1x128xi32, #tpu.memory_space<vmem>>
    %dma_start3A_138 = tpu.memref_squeeze %dma_start3A_137 : memref<1x128xi32, #tpu.memory_space<vmem>> -> memref<128xi32, #tpu.memory_space<vmem>>
    %dma_start3A_139 = arith.constant 0 : i32
    %dma_start3A_140 = tpu.memref_slice %arg2[%dma_start3A_139] : memref<4001792xf32, #tpu.memory_space<hbm>> -> memref<4001792xf32, #tpu.memory_space<hbm>>
    tpu.enqueue_indirect_dma source(%dma_start3A_140 : memref<4001792xf32, #tpu.memory_space<hbm>>) target(%dma_start3A_135 : memref<128xf32, #tpu.memory_space<vmem>>) offsets(%dma_start3A_138 : memref<128xi32, #tpu.memory_space<vmem>>) semaphore(%arg21 : memref<!tpu.dma_semaphore, #tpu.memory_space<semaphore_mem>>)
    %dma_start3A_141 = arith.constant 1 : i32
    %dma_start3A_142 = arith.constant 5 : i32
    %dma_start3A_143 = arith.constant 0 : i32
    %dma_start3A_144 = tpu.memref_slice %arg16[%dma_start3A_142, %dma_start3A_143] : memref<6x512xf32, #tpu.memory_space<vmem>> -> memref<1x512xf32, #tpu.memory_space<vmem>>
    %dma_start3A_145 = tpu.memref_squeeze %dma_start3A_144 : memref<1x512xf32, #tpu.memory_space<vmem>> -> memref<512xf32, #tpu.memory_space<vmem>>
    %dma_start3A_146 = arith.constant 128 : i32
    %dma_start3A_147 = tpu.memref_slice %dma_start3A_145[%dma_start3A_146] : memref<512xf32, #tpu.memory_space<vmem>> -> memref<128xf32, #tpu.memory_space<vmem>>
    %dma_start3A_148 = arith.constant 0 : i32
    %dma_start3A_149 = tpu.memref_slice %arg14[%dma_start3A_141, %dma_start3A_148] : memref<4x128xi32, #tpu.memory_space<vmem>> -> memref<1x128xi32, #tpu.memory_space<vmem>>
    %dma_start3A_150 = tpu.memref_squeeze %dma_start3A_149 : memref<1x128xi32, #tpu.memory_space<vmem>> -> memref<128xi32, #tpu.memory_space<vmem>>
    %dma_start3A_151 = arith.constant 0 : i32
    %dma_start3A_152 = tpu.memref_slice %arg3[%dma_start3A_151] : memref<4001792xf32, #tpu.memory_space<hbm>> -> memref<4001792xf32, #tpu.memory_space<hbm>>
    tpu.enqueue_indirect_dma source(%dma_start3A_152 : memref<4001792xf32, #tpu.memory_space<hbm>>) target(%dma_start3A_147 : memref<128xf32, #tpu.memory_space<vmem>>) offsets(%dma_start3A_150 : memref<128xi32, #tpu.memory_space<vmem>>) semaphore(%arg22 : memref<!tpu.dma_semaphore, #tpu.memory_space<semaphore_mem>>)
    %dma_start3A_153 = arith.constant 2 : i32
    %dma_start3A_154 = arith.constant 0 : i32
    %dma_start3A_155 = arith.constant 0 : i32
    %dma_start3A_156 = tpu.memref_slice %arg16[%dma_start3A_154, %dma_start3A_155] : memref<6x512xf32, #tpu.memory_space<vmem>> -> memref<1x512xf32, #tpu.memory_space<vmem>>
    %dma_start3A_157 = tpu.memref_squeeze %dma_start3A_156 : memref<1x512xf32, #tpu.memory_space<vmem>> -> memref<512xf32, #tpu.memory_space<vmem>>
    %dma_start3A_158 = arith.constant 256 : i32
    %dma_start3A_159 = tpu.memref_slice %dma_start3A_157[%dma_start3A_158] : memref<512xf32, #tpu.memory_space<vmem>> -> memref<128xf32, #tpu.memory_space<vmem>>
    %dma_start3A_160 = arith.constant 0 : i32
    %dma_start3A_161 = tpu.memref_slice %arg12[%dma_start3A_153, %dma_start3A_160] : memref<4x128xi32, #tpu.memory_space<vmem>> -> memref<1x128xi32, #tpu.memory_space<vmem>>
    %dma_start3A_162 = tpu.memref_squeeze %dma_start3A_161 : memref<1x128xi32, #tpu.memory_space<vmem>> -> memref<128xi32, #tpu.memory_space<vmem>>
    %dma_start3A_163 = arith.constant 0 : i32
    %dma_start3A_164 = tpu.memref_slice %arg2[%dma_start3A_163] : memref<4001792xf32, #tpu.memory_space<hbm>> -> memref<4001792xf32, #tpu.memory_space<hbm>>
    tpu.enqueue_indirect_dma source(%dma_start3A_164 : memref<4001792xf32, #tpu.memory_space<hbm>>) target(%dma_start3A_159 : memref<128xf32, #tpu.memory_space<vmem>>) offsets(%dma_start3A_162 : memref<128xi32, #tpu.memory_space<vmem>>) semaphore(%arg21 : memref<!tpu.dma_semaphore, #tpu.memory_space<semaphore_mem>>)
    %dma_start3A_165 = arith.constant 2 : i32
    %dma_start3A_166 = arith.constant 3 : i32
    %dma_start3A_167 = arith.constant 0 : i32
    %dma_start3A_168 = tpu.memref_slice %arg16[%dma_start3A_166, %dma_start3A_167] : memref<6x512xf32, #tpu.memory_space<vmem>> -> memref<1x512xf32, #tpu.memory_space<vmem>>
    %dma_start3A_169 = tpu.memref_squeeze %dma_start3A_168 : memref<1x512xf32, #tpu.memory_space<vmem>> -> memref<512xf32, #tpu.memory_space<vmem>>
    %dma_start3A_170 = arith.constant 256 : i32
    %dma_start3A_171 = tpu.memref_slice %dma_start3A_169[%dma_start3A_170] : memref<512xf32, #tpu.memory_space<vmem>> -> memref<128xf32, #tpu.memory_space<vmem>>
    %dma_start3A_172 = arith.constant 0 : i32
    %dma_start3A_173 = tpu.memref_slice %arg12[%dma_start3A_165, %dma_start3A_172] : memref<4x128xi32, #tpu.memory_space<vmem>> -> memref<1x128xi32, #tpu.memory_space<vmem>>
    %dma_start3A_174 = tpu.memref_squeeze %dma_start3A_173 : memref<1x128xi32, #tpu.memory_space<vmem>> -> memref<128xi32, #tpu.memory_space<vmem>>
    %dma_start3A_175 = arith.constant 0 : i32
    %dma_start3A_176 = tpu.memref_slice %arg3[%dma_start3A_175] : memref<4001792xf32, #tpu.memory_space<hbm>> -> memref<4001792xf32, #tpu.memory_space<hbm>>
    tpu.enqueue_indirect_dma source(%dma_start3A_176 : memref<4001792xf32, #tpu.memory_space<hbm>>) target(%dma_start3A_171 : memref<128xf32, #tpu.memory_space<vmem>>) offsets(%dma_start3A_174 : memref<128xi32, #tpu.memory_space<vmem>>) semaphore(%arg22 : memref<!tpu.dma_semaphore, #tpu.memory_space<semaphore_mem>>)
    %dma_start3A_177 = arith.constant 2 : i32
    %dma_start3A_178 = arith.constant 1 : i32
    %dma_start3A_179 = arith.constant 0 : i32
    %dma_start3A_180 = tpu.memref_slice %arg16[%dma_start3A_178, %dma_start3A_179] : memref<6x512xf32, #tpu.memory_space<vmem>> -> memref<1x512xf32, #tpu.memory_space<vmem>>
    %dma_start3A_181 = tpu.memref_squeeze %dma_start3A_180 : memref<1x512xf32, #tpu.memory_space<vmem>> -> memref<512xf32, #tpu.memory_space<vmem>>
    %dma_start3A_182 = arith.constant 256 : i32
    %dma_start3A_183 = tpu.memref_slice %dma_start3A_181[%dma_start3A_182] : memref<512xf32, #tpu.memory_space<vmem>> -> memref<128xf32, #tpu.memory_space<vmem>>
    %dma_start3A_184 = arith.constant 0 : i32
    %dma_start3A_185 = tpu.memref_slice %arg13[%dma_start3A_177, %dma_start3A_184] : memref<4x128xi32, #tpu.memory_space<vmem>> -> memref<1x128xi32, #tpu.memory_space<vmem>>
    %dma_start3A_186 = tpu.memref_squeeze %dma_start3A_185 : memref<1x128xi32, #tpu.memory_space<vmem>> -> memref<128xi32, #tpu.memory_space<vmem>>
    %dma_start3A_187 = arith.constant 0 : i32
    %dma_start3A_188 = tpu.memref_slice %arg2[%dma_start3A_187] : memref<4001792xf32, #tpu.memory_space<hbm>> -> memref<4001792xf32, #tpu.memory_space<hbm>>
    tpu.enqueue_indirect_dma source(%dma_start3A_188 : memref<4001792xf32, #tpu.memory_space<hbm>>) target(%dma_start3A_183 : memref<128xf32, #tpu.memory_space<vmem>>) offsets(%dma_start3A_186 : memref<128xi32, #tpu.memory_space<vmem>>) semaphore(%arg21 : memref<!tpu.dma_semaphore, #tpu.memory_space<semaphore_mem>>)
    %dma_start3A_189 = arith.constant 2 : i32
    %dma_start3A_190 = arith.constant 4 : i32
    %dma_start3A_191 = arith.constant 0 : i32
    %dma_start3A_192 = tpu.memref_slice %arg16[%dma_start3A_190, %dma_start3A_191] : memref<6x512xf32, #tpu.memory_space<vmem>> -> memref<1x512xf32, #tpu.memory_space<vmem>>
    %dma_start3A_193 = tpu.memref_squeeze %dma_start3A_192 : memref<1x512xf32, #tpu.memory_space<vmem>> -> memref<512xf32, #tpu.memory_space<vmem>>
    %dma_start3A_194 = arith.constant 256 : i32
    %dma_start3A_195 = tpu.memref_slice %dma_start3A_193[%dma_start3A_194] : memref<512xf32, #tpu.memory_space<vmem>> -> memref<128xf32, #tpu.memory_space<vmem>>
    %dma_start3A_196 = arith.constant 0 : i32
    %dma_start3A_197 = tpu.memref_slice %arg13[%dma_start3A_189, %dma_start3A_196] : memref<4x128xi32, #tpu.memory_space<vmem>> -> memref<1x128xi32, #tpu.memory_space<vmem>>
    %dma_start3A_198 = tpu.memref_squeeze %dma_start3A_197 : memref<1x128xi32, #tpu.memory_space<vmem>> -> memref<128xi32, #tpu.memory_space<vmem>>
    %dma_start3A_199 = arith.constant 0 : i32
    %dma_start3A_200 = tpu.memref_slice %arg3[%dma_start3A_199] : memref<4001792xf32, #tpu.memory_space<hbm>> -> memref<4001792xf32, #tpu.memory_space<hbm>>
    tpu.enqueue_indirect_dma source(%dma_start3A_200 : memref<4001792xf32, #tpu.memory_space<hbm>>) target(%dma_start3A_195 : memref<128xf32, #tpu.memory_space<vmem>>) offsets(%dma_start3A_198 : memref<128xi32, #tpu.memory_space<vmem>>) semaphore(%arg22 : memref<!tpu.dma_semaphore, #tpu.memory_space<semaphore_mem>>)
    %dma_start3A_201 = arith.constant 2 : i32
    %dma_start3A_202 = arith.constant 2 : i32
    %dma_start3A_203 = arith.constant 0 : i32
    %dma_start3A_204 = tpu.memref_slice %arg16[%dma_start3A_202, %dma_start3A_203] : memref<6x512xf32, #tpu.memory_space<vmem>> -> memref<1x512xf32, #tpu.memory_space<vmem>>
    %dma_start3A_205 = tpu.memref_squeeze %dma_start3A_204 : memref<1x512xf32, #tpu.memory_space<vmem>> -> memref<512xf32, #tpu.memory_space<vmem>>
    %dma_start3A_206 = arith.constant 256 : i32
    %dma_start3A_207 = tpu.memref_slice %dma_start3A_205[%dma_start3A_206] : memref<512xf32, #tpu.memory_space<vmem>> -> memref<128xf32, #tpu.memory_space<vmem>>
    %dma_start3A_208 = arith.constant 0 : i32
    %dma_start3A_209 = tpu.memref_slice %arg14[%dma_start3A_201, %dma_start3A_208] : memref<4x128xi32, #tpu.memory_space<vmem>> -> memref<1x128xi32, #tpu.memory_space<vmem>>
    %dma_start3A_210 = tpu.memref_squeeze %dma_start3A_209 : memref<1x128xi32, #tpu.memory_space<vmem>> -> memref<128xi32, #tpu.memory_space<vmem>>
    %dma_start3A_211 = arith.constant 0 : i32
    %dma_start3A_212 = tpu.memref_slice %arg2[%dma_start3A_211] : memref<4001792xf32, #tpu.memory_space<hbm>> -> memref<4001792xf32, #tpu.memory_space<hbm>>
    tpu.enqueue_indirect_dma source(%dma_start3A_212 : memref<4001792xf32, #tpu.memory_space<hbm>>) target(%dma_start3A_207 : memref<128xf32, #tpu.memory_space<vmem>>) offsets(%dma_start3A_210 : memref<128xi32, #tpu.memory_space<vmem>>) semaphore(%arg21 : memref<!tpu.dma_semaphore, #tpu.memory_space<semaphore_mem>>)
    %dma_start3A_213 = arith.constant 2 : i32
    %dma_start3A_214 = arith.constant 5 : i32
    %dma_start3A_215 = arith.constant 0 : i32
    %dma_start3A_216 = tpu.memref_slice %arg16[%dma_start3A_214, %dma_start3A_215] : memref<6x512xf32, #tpu.memory_space<vmem>> -> memref<1x512xf32, #tpu.memory_space<vmem>>
    %dma_start3A_217 = tpu.memref_squeeze %dma_start3A_216 : memref<1x512xf32, #tpu.memory_space<vmem>> -> memref<512xf32, #tpu.memory_space<vmem>>
    %dma_start3A_218 = arith.constant 256 : i32
    %dma_start3A_219 = tpu.memref_slice %dma_start3A_217[%dma_start3A_218] : memref<512xf32, #tpu.memory_space<vmem>> -> memref<128xf32, #tpu.memory_space<vmem>>
    %dma_start3A_220 = arith.constant 0 : i32
    %dma_start3A_221 = tpu.memref_slice %arg14[%dma_start3A_213, %dma_start3A_220] : memref<4x128xi32, #tpu.memory_space<vmem>> -> memref<1x128xi32, #tpu.memory_space<vmem>>
    %dma_start3A_222 = tpu.memref_squeeze %dma_start3A_221 : memref<1x128xi32, #tpu.memory_space<vmem>> -> memref<128xi32, #tpu.memory_space<vmem>>
    %dma_start3A_223 = arith.constant 0 : i32
    %dma_start3A_224 = tpu.memref_slice %arg3[%dma_start3A_223] : memref<4001792xf32, #tpu.memory_space<hbm>> -> memref<4001792xf32, #tpu.memory_space<hbm>>
    tpu.enqueue_indirect_dma source(%dma_start3A_224 : memref<4001792xf32, #tpu.memory_space<hbm>>) target(%dma_start3A_219 : memref<128xf32, #tpu.memory_space<vmem>>) offsets(%dma_start3A_222 : memref<128xi32, #tpu.memory_space<vmem>>) semaphore(%arg22 : memref<!tpu.dma_semaphore, #tpu.memory_space<semaphore_mem>>)
    %dma_start3A_225 = arith.constant 3 : i32
    %dma_start3A_226 = arith.constant 0 : i32
    %dma_start3A_227 = arith.constant 0 : i32
    %dma_start3A_228 = tpu.memref_slice %arg16[%dma_start3A_226, %dma_start3A_227] : memref<6x512xf32, #tpu.memory_space<vmem>> -> memref<1x512xf32, #tpu.memory_space<vmem>>
    %dma_start3A_229 = tpu.memref_squeeze %dma_start3A_228 : memref<1x512xf32, #tpu.memory_space<vmem>> -> memref<512xf32, #tpu.memory_space<vmem>>
    %dma_start3A_230 = arith.constant 384 : i32
    %dma_start3A_231 = tpu.memref_slice %dma_start3A_229[%dma_start3A_230] : memref<512xf32, #tpu.memory_space<vmem>> -> memref<128xf32, #tpu.memory_space<vmem>>
    %dma_start3A_232 = arith.constant 0 : i32
    %dma_start3A_233 = tpu.memref_slice %arg12[%dma_start3A_225, %dma_start3A_232] : memref<4x128xi32, #tpu.memory_space<vmem>> -> memref<1x128xi32, #tpu.memory_space<vmem>>
    %dma_start3A_234 = tpu.memref_squeeze %dma_start3A_233 : memref<1x128xi32, #tpu.memory_space<vmem>> -> memref<128xi32, #tpu.memory_space<vmem>>
    %dma_start3A_235 = arith.constant 0 : i32
    %dma_start3A_236 = tpu.memref_slice %arg2[%dma_start3A_235] : memref<4001792xf32, #tpu.memory_space<hbm>> -> memref<4001792xf32, #tpu.memory_space<hbm>>
    tpu.enqueue_indirect_dma source(%dma_start3A_236 : memref<4001792xf32, #tpu.memory_space<hbm>>) target(%dma_start3A_231 : memref<128xf32, #tpu.memory_space<vmem>>) offsets(%dma_start3A_234 : memref<128xi32, #tpu.memory_space<vmem>>) semaphore(%arg21 : memref<!tpu.dma_semaphore, #tpu.memory_space<semaphore_mem>>)
    %dma_start3A_237 = arith.constant 3 : i32
    %dma_start3A_238 = arith.constant 3 : i32
    %dma_start3A_239 = arith.constant 0 : i32
    %dma_start3A_240 = tpu.memref_slice %arg16[%dma_start3A_238, %dma_start3A_239] : memref<6x512xf32, #tpu.memory_space<vmem>> -> memref<1x512xf32, #tpu.memory_space<vmem>>
    %dma_start3A_241 = tpu.memref_squeeze %dma_start3A_240 : memref<1x512xf32, #tpu.memory_space<vmem>> -> memref<512xf32, #tpu.memory_space<vmem>>
    %dma_start3A_242 = arith.constant 384 : i32
    %dma_start3A_243 = tpu.memref_slice %dma_start3A_241[%dma_start3A_242] : memref<512xf32, #tpu.memory_space<vmem>> -> memref<128xf32, #tpu.memory_space<vmem>>
    %dma_start3A_244 = arith.constant 0 : i32
    %dma_start3A_245 = tpu.memref_slice %arg12[%dma_start3A_237, %dma_start3A_244] : memref<4x128xi32, #tpu.memory_space<vmem>> -> memref<1x128xi32, #tpu.memory_space<vmem>>
    %dma_start3A_246 = tpu.memref_squeeze %dma_start3A_245 : memref<1x128xi32, #tpu.memory_space<vmem>> -> memref<128xi32, #tpu.memory_space<vmem>>
    %dma_start3A_247 = arith.constant 0 : i32
    %dma_start3A_248 = tpu.memref_slice %arg3[%dma_start3A_247] : memref<4001792xf32, #tpu.memory_space<hbm>> -> memref<4001792xf32, #tpu.memory_space<hbm>>
    tpu.enqueue_indirect_dma source(%dma_start3A_248 : memref<4001792xf32, #tpu.memory_space<hbm>>) target(%dma_start3A_243 : memref<128xf32, #tpu.memory_space<vmem>>) offsets(%dma_start3A_246 : memref<128xi32, #tpu.memory_space<vmem>>) semaphore(%arg22 : memref<!tpu.dma_semaphore, #tpu.memory_space<semaphore_mem>>)
    %dma_start3A_249 = arith.constant 3 : i32
    %dma_start3A_250 = arith.constant 1 : i32
    %dma_start3A_251 = arith.constant 0 : i32
    %dma_start3A_252 = tpu.memref_slice %arg16[%dma_start3A_250, %dma_start3A_251] : memref<6x512xf32, #tpu.memory_space<vmem>> -> memref<1x512xf32, #tpu.memory_space<vmem>>
    %dma_start3A_253 = tpu.memref_squeeze %dma_start3A_252 : memref<1x512xf32, #tpu.memory_space<vmem>> -> memref<512xf32, #tpu.memory_space<vmem>>
    %dma_start3A_254 = arith.constant 384 : i32
    %dma_start3A_255 = tpu.memref_slice %dma_start3A_253[%dma_start3A_254] : memref<512xf32, #tpu.memory_space<vmem>> -> memref<128xf32, #tpu.memory_space<vmem>>
    %dma_start3A_256 = arith.constant 0 : i32
    %dma_start3A_257 = tpu.memref_slice %arg13[%dma_start3A_249, %dma_start3A_256] : memref<4x128xi32, #tpu.memory_space<vmem>> -> memref<1x128xi32, #tpu.memory_space<vmem>>
    %dma_start3A_258 = tpu.memref_squeeze %dma_start3A_257 : memref<1x128xi32, #tpu.memory_space<vmem>> -> memref<128xi32, #tpu.memory_space<vmem>>
    %dma_start3A_259 = arith.constant 0 : i32
    %dma_start3A_260 = tpu.memref_slice %arg2[%dma_start3A_259] : memref<4001792xf32, #tpu.memory_space<hbm>> -> memref<4001792xf32, #tpu.memory_space<hbm>>
    tpu.enqueue_indirect_dma source(%dma_start3A_260 : memref<4001792xf32, #tpu.memory_space<hbm>>) target(%dma_start3A_255 : memref<128xf32, #tpu.memory_space<vmem>>) offsets(%dma_start3A_258 : memref<128xi32, #tpu.memory_space<vmem>>) semaphore(%arg21 : memref<!tpu.dma_semaphore, #tpu.memory_space<semaphore_mem>>)
    %dma_start3A_261 = arith.constant 3 : i32
    %dma_start3A_262 = arith.constant 4 : i32
    %dma_start3A_263 = arith.constant 0 : i32
    %dma_start3A_264 = tpu.memref_slice %arg16[%dma_start3A_262, %dma_start3A_263] : memref<6x512xf32, #tpu.memory_space<vmem>> -> memref<1x512xf32, #tpu.memory_space<vmem>>
    %dma_start3A_265 = tpu.memref_squeeze %dma_start3A_264 : memref<1x512xf32, #tpu.memory_space<vmem>> -> memref<512xf32, #tpu.memory_space<vmem>>
    %dma_start3A_266 = arith.constant 384 : i32
    %dma_start3A_267 = tpu.memref_slice %dma_start3A_265[%dma_start3A_266] : memref<512xf32, #tpu.memory_space<vmem>> -> memref<128xf32, #tpu.memory_space<vmem>>
    %dma_start3A_268 = arith.constant 0 : i32
    %dma_start3A_269 = tpu.memref_slice %arg13[%dma_start3A_261, %dma_start3A_268] : memref<4x128xi32, #tpu.memory_space<vmem>> -> memref<1x128xi32, #tpu.memory_space<vmem>>
    %dma_start3A_270 = tpu.memref_squeeze %dma_start3A_269 : memref<1x128xi32, #tpu.memory_space<vmem>> -> memref<128xi32, #tpu.memory_space<vmem>>
    %dma_start3A_271 = arith.constant 0 : i32
    %dma_start3A_272 = tpu.memref_slice %arg3[%dma_start3A_271] : memref<4001792xf32, #tpu.memory_space<hbm>> -> memref<4001792xf32, #tpu.memory_space<hbm>>
    tpu.enqueue_indirect_dma source(%dma_start3A_272 : memref<4001792xf32, #tpu.memory_space<hbm>>) target(%dma_start3A_267 : memref<128xf32, #tpu.memory_space<vmem>>) offsets(%dma_start3A_270 : memref<128xi32, #tpu.memory_space<vmem>>) semaphore(%arg22 : memref<!tpu.dma_semaphore, #tpu.memory_space<semaphore_mem>>)
    %dma_start3A_273 = arith.constant 3 : i32
    %dma_start3A_274 = arith.constant 2 : i32
    %dma_start3A_275 = arith.constant 0 : i32
    %dma_start3A_276 = tpu.memref_slice %arg16[%dma_start3A_274, %dma_start3A_275] : memref<6x512xf32, #tpu.memory_space<vmem>> -> memref<1x512xf32, #tpu.memory_space<vmem>>
    %dma_start3A_277 = tpu.memref_squeeze %dma_start3A_276 : memref<1x512xf32, #tpu.memory_space<vmem>> -> memref<512xf32, #tpu.memory_space<vmem>>
    %dma_start3A_278 = arith.constant 384 : i32
    %dma_start3A_279 = tpu.memref_slice %dma_start3A_277[%dma_start3A_278] : memref<512xf32, #tpu.memory_space<vmem>> -> memref<128xf32, #tpu.memory_space<vmem>>
    %dma_start3A_280 = arith.constant 0 : i32
    %dma_start3A_281 = tpu.memref_slice %arg14[%dma_start3A_273, %dma_start3A_280] : memref<4x128xi32, #tpu.memory_space<vmem>> -> memref<1x128xi32, #tpu.memory_space<vmem>>
    %dma_start3A_282 = tpu.memref_squeeze %dma_start3A_281 : memref<1x128xi32, #tpu.memory_space<vmem>> -> memref<128xi32, #tpu.memory_space<vmem>>
    %dma_start3A_283 = arith.constant 0 : i32
    %dma_start3A_284 = tpu.memref_slice %arg2[%dma_start3A_283] : memref<4001792xf32, #tpu.memory_space<hbm>> -> memref<4001792xf32, #tpu.memory_space<hbm>>
    tpu.enqueue_indirect_dma source(%dma_start3A_284 : memref<4001792xf32, #tpu.memory_space<hbm>>) target(%dma_start3A_279 : memref<128xf32, #tpu.memory_space<vmem>>) offsets(%dma_start3A_282 : memref<128xi32, #tpu.memory_space<vmem>>) semaphore(%arg21 : memref<!tpu.dma_semaphore, #tpu.memory_space<semaphore_mem>>)
    %dma_start3A_285 = arith.constant 3 : i32
    %dma_start3A_286 = arith.constant 5 : i32
    %dma_start3A_287 = arith.constant 0 : i32
    %dma_start3A_288 = tpu.memref_slice %arg16[%dma_start3A_286, %dma_start3A_287] : memref<6x512xf32, #tpu.memory_space<vmem>> -> memref<1x512xf32, #tpu.memory_space<vmem>>
    %dma_start3A_289 = tpu.memref_squeeze %dma_start3A_288 : memref<1x512xf32, #tpu.memory_space<vmem>> -> memref<512xf32, #tpu.memory_space<vmem>>
    %dma_start3A_290 = arith.constant 384 : i32
    %dma_start3A_291 = tpu.memref_slice %dma_start3A_289[%dma_start3A_290] : memref<512xf32, #tpu.memory_space<vmem>> -> memref<128xf32, #tpu.memory_space<vmem>>
    %dma_start3A_292 = arith.constant 0 : i32
    %dma_start3A_293 = tpu.memref_slice %arg14[%dma_start3A_285, %dma_start3A_292] : memref<4x128xi32, #tpu.memory_space<vmem>> -> memref<1x128xi32, #tpu.memory_space<vmem>>
    %dma_start3A_294 = tpu.memref_squeeze %dma_start3A_293 : memref<1x128xi32, #tpu.memory_space<vmem>> -> memref<128xi32, #tpu.memory_space<vmem>>
    %dma_start3A_295 = arith.constant 0 : i32
    %dma_start3A_296 = tpu.memref_slice %arg3[%dma_start3A_295] : memref<4001792xf32, #tpu.memory_space<hbm>> -> memref<4001792xf32, #tpu.memory_space<hbm>>
    tpu.enqueue_indirect_dma source(%dma_start3A_296 : memref<4001792xf32, #tpu.memory_space<hbm>>) target(%dma_start3A_291 : memref<128xf32, #tpu.memory_space<vmem>>) offsets(%dma_start3A_294 : memref<128xi32, #tpu.memory_space<vmem>>) semaphore(%arg22 : memref<!tpu.dma_semaphore, #tpu.memory_space<semaphore_mem>>)
    "tpu.region"() ({
      %run_scoped3A_625 = tpu.sem_alloc : memref<!tpu.dma_semaphore, #tpu.memory_space<semaphore_mem>>
      %dma_start3A_626 = tpu.memref_slice %arg8[%mul3A_2] : memref<16384xi32, #tpu.memory_space<hbm>> -> memref<512xi32, #tpu.memory_space<hbm>>
      %dma_start3A_627 = tpu.memref_slice %arg8[%mul3A_2] : memref<16384xi32, #tpu.memory_space<hbm>> -> memref<512xi32, #tpu.memory_space<hbm>>
      tpu.enqueue_dma source(%dma_start3A_627 : memref<512xi32, #tpu.memory_space<hbm>>) target(%arg15 : memref<512xi32, #tpu.memory_space<vmem>>) target_semaphore(%run_scoped3A_625 : memref<!tpu.dma_semaphore, #tpu.memory_space<semaphore_mem>>)
      %dma_wait3A_628 = tpu.memref_slice %arg8[%mul3A_2] : memref<16384xi32, #tpu.memory_space<hbm>> -> memref<512xi32, #tpu.memory_space<hbm>>
      %dma_wait3A_629 = tpu.memref_slice %arg8[%mul3A_2] : memref<16384xi32, #tpu.memory_space<hbm>> -> memref<512xi32, #tpu.memory_space<hbm>>
      tpu.wait_dma2 semaphore(%run_scoped3A_625 : memref<!tpu.dma_semaphore, #tpu.memory_space<semaphore_mem>>) src(%dma_wait3A_629 : memref<512xi32, #tpu.memory_space<hbm>>) dst(%arg15 : memref<512xi32, #tpu.memory_space<vmem>>)
      tpu.yield
    }) : () -> ()
    %add3A_297 = arith.constant 0 : i32
    %add3A_298 = arith.addi %add3A_297, %mul3A_2 : i32
    %run_scoped3A = arith.constant 0 : i32
    "tpu.region"() ({
      %run_scoped3A_625 = tpu.sem_alloc : memref<!tpu.dma_semaphore, #tpu.memory_space<semaphore_mem>>
      %dma_start3A_626 = arith.constant 0 : i32
      %dma_start3A_627 = tpu.memref_slice %arg17[%run_scoped3A, %dma_start3A_626] : memref<6x512xf32, #tpu.memory_space<vmem>> -> memref<1x512xf32, #tpu.memory_space<vmem>>
      %dma_start3A_628 = tpu.memref_squeeze %dma_start3A_627 : memref<1x512xf32, #tpu.memory_space<vmem>> -> memref<512xf32, #tpu.memory_space<vmem>>
      %dma_start3A_629 = tpu.memref_slice %arg4[%add3A_298] : memref<49152xf32, #tpu.memory_space<hbm>> -> memref<512xf32, #tpu.memory_space<hbm>>
      %dma_start3A_630 = arith.constant 0 : i32
      %dma_start3A_631 = tpu.memref_slice %arg17[%run_scoped3A, %dma_start3A_630] : memref<6x512xf32, #tpu.memory_space<vmem>> -> memref<1x512xf32, #tpu.memory_space<vmem>>
      %dma_start3A_632 = tpu.memref_squeeze %dma_start3A_631 : memref<1x512xf32, #tpu.memory_space<vmem>> -> memref<512xf32, #tpu.memory_space<vmem>>
      %dma_start3A_633 = tpu.memref_slice %arg4[%add3A_298] : memref<49152xf32, #tpu.memory_space<hbm>> -> memref<512xf32, #tpu.memory_space<hbm>>
      tpu.enqueue_dma source(%dma_start3A_633 : memref<512xf32, #tpu.memory_space<hbm>>) target(%dma_start3A_632 : memref<512xf32, #tpu.memory_space<vmem>>) target_semaphore(%run_scoped3A_625 : memref<!tpu.dma_semaphore, #tpu.memory_space<semaphore_mem>>)
      %dma_wait3A_634 = arith.constant 0 : i32
      %dma_wait3A_635 = tpu.memref_slice %arg17[%run_scoped3A, %dma_wait3A_634] : memref<6x512xf32, #tpu.memory_space<vmem>> -> memref<1x512xf32, #tpu.memory_space<vmem>>
      %dma_wait3A_636 = tpu.memref_squeeze %dma_wait3A_635 : memref<1x512xf32, #tpu.memory_space<vmem>> -> memref<512xf32, #tpu.memory_space<vmem>>
      %dma_wait3A_637 = tpu.memref_slice %arg4[%add3A_298] : memref<49152xf32, #tpu.memory_space<hbm>> -> memref<512xf32, #tpu.memory_space<hbm>>
      %dma_wait3A_638 = arith.constant 0 : i32
      %dma_wait3A_639 = tpu.memref_slice %arg17[%run_scoped3A, %dma_wait3A_638] : memref<6x512xf32, #tpu.memory_space<vmem>> -> memref<1x512xf32, #tpu.memory_space<vmem>>
      %dma_wait3A_640 = tpu.memref_squeeze %dma_wait3A_639 : memref<1x512xf32, #tpu.memory_space<vmem>> -> memref<512xf32, #tpu.memory_space<vmem>>
      %dma_wait3A_641 = tpu.memref_slice %arg4[%add3A_298] : memref<49152xf32, #tpu.memory_space<hbm>> -> memref<512xf32, #tpu.memory_space<hbm>>
      tpu.wait_dma2 semaphore(%run_scoped3A_625 : memref<!tpu.dma_semaphore, #tpu.memory_space<semaphore_mem>>) src(%dma_wait3A_641 : memref<512xf32, #tpu.memory_space<hbm>>) dst(%dma_wait3A_640 : memref<512xf32, #tpu.memory_space<vmem>>)
      tpu.yield
    }) : () -> ()
    %add3A_299 = arith.constant 0 : i32
    %add3A_300 = arith.addi %add3A_299, %mul3A_2 : i32
    %run_scoped3A_301 = arith.constant 3 : i32
    "tpu.region"() ({
      %run_scoped3A_625 = tpu.sem_alloc : memref<!tpu.dma_semaphore, #tpu.memory_space<semaphore_mem>>
      %dma_start3A_626 = arith.constant 0 : i32
      %dma_start3A_627 = tpu.memref_slice %arg17[%run_scoped3A_301, %dma_start3A_626] : memref<6x512xf32, #tpu.memory_space<vmem>> -> memref<1x512xf32, #tpu.memory_space<vmem>>
      %dma_start3A_628 = tpu.memref_squeeze %dma_start3A_627 : memref<1x512xf32, #tpu.memory_space<vmem>> -> memref<512xf32, #tpu.memory_space<vmem>>
      %dma_start3A_629 = tpu.memref_slice %arg5[%add3A_300] : memref<49152xf32, #tpu.memory_space<hbm>> -> memref<512xf32, #tpu.memory_space<hbm>>
      %dma_start3A_630 = arith.constant 0 : i32
      %dma_start3A_631 = tpu.memref_slice %arg17[%run_scoped3A_301, %dma_start3A_630] : memref<6x512xf32, #tpu.memory_space<vmem>> -> memref<1x512xf32, #tpu.memory_space<vmem>>
      %dma_start3A_632 = tpu.memref_squeeze %dma_start3A_631 : memref<1x512xf32, #tpu.memory_space<vmem>> -> memref<512xf32, #tpu.memory_space<vmem>>
      %dma_start3A_633 = tpu.memref_slice %arg5[%add3A_300] : memref<49152xf32, #tpu.memory_space<hbm>> -> memref<512xf32, #tpu.memory_space<hbm>>
      tpu.enqueue_dma source(%dma_start3A_633 : memref<512xf32, #tpu.memory_space<hbm>>) target(%dma_start3A_632 : memref<512xf32, #tpu.memory_space<vmem>>) target_semaphore(%run_scoped3A_625 : memref<!tpu.dma_semaphore, #tpu.memory_space<semaphore_mem>>)
      %dma_wait3A_634 = arith.constant 0 : i32
      %dma_wait3A_635 = tpu.memref_slice %arg17[%run_scoped3A_301, %dma_wait3A_634] : memref<6x512xf32, #tpu.memory_space<vmem>> -> memref<1x512xf32, #tpu.memory_space<vmem>>
      %dma_wait3A_636 = tpu.memref_squeeze %dma_wait3A_635 : memref<1x512xf32, #tpu.memory_space<vmem>> -> memref<512xf32, #tpu.memory_space<vmem>>
      %dma_wait3A_637 = tpu.memref_slice %arg5[%add3A_300] : memref<49152xf32, #tpu.memory_space<hbm>> -> memref<512xf32, #tpu.memory_space<hbm>>
      %dma_wait3A_638 = arith.constant 0 : i32
      %dma_wait3A_639 = tpu.memref_slice %arg17[%run_scoped3A_301, %dma_wait3A_638] : memref<6x512xf32, #tpu.memory_space<vmem>> -> memref<1x512xf32, #tpu.memory_space<vmem>>
      %dma_wait3A_640 = tpu.memref_squeeze %dma_wait3A_639 : memref<1x512xf32, #tpu.memory_space<vmem>> -> memref<512xf32, #tpu.memory_space<vmem>>
      %dma_wait3A_641 = tpu.memref_slice %arg5[%add3A_300] : memref<49152xf32, #tpu.memory_space<hbm>> -> memref<512xf32, #tpu.memory_space<hbm>>
      tpu.wait_dma2 semaphore(%run_scoped3A_625 : memref<!tpu.dma_semaphore, #tpu.memory_space<semaphore_mem>>) src(%dma_wait3A_641 : memref<512xf32, #tpu.memory_space<hbm>>) dst(%dma_wait3A_640 : memref<512xf32, #tpu.memory_space<vmem>>)
      tpu.yield
    }) : () -> ()
    %add3A_302 = arith.constant 16384 : i32
    %add3A_303 = arith.addi %add3A_302, %mul3A_2 : i32
    %run_scoped3A_304 = arith.constant 1 : i32
    "tpu.region"() ({
      %run_scoped3A_625 = tpu.sem_alloc : memref<!tpu.dma_semaphore, #tpu.memory_space<semaphore_mem>>
      %dma_start3A_626 = arith.constant 0 : i32
      %dma_start3A_627 = tpu.memref_slice %arg17[%run_scoped3A_304, %dma_start3A_626] : memref<6x512xf32, #tpu.memory_space<vmem>> -> memref<1x512xf32, #tpu.memory_space<vmem>>
      %dma_start3A_628 = tpu.memref_squeeze %dma_start3A_627 : memref<1x512xf32, #tpu.memory_space<vmem>> -> memref<512xf32, #tpu.memory_space<vmem>>
      %dma_start3A_629 = tpu.memref_slice %arg4[%add3A_303] : memref<49152xf32, #tpu.memory_space<hbm>> -> memref<512xf32, #tpu.memory_space<hbm>>
      %dma_start3A_630 = arith.constant 0 : i32
      %dma_start3A_631 = tpu.memref_slice %arg17[%run_scoped3A_304, %dma_start3A_630] : memref<6x512xf32, #tpu.memory_space<vmem>> -> memref<1x512xf32, #tpu.memory_space<vmem>>
      %dma_start3A_632 = tpu.memref_squeeze %dma_start3A_631 : memref<1x512xf32, #tpu.memory_space<vmem>> -> memref<512xf32, #tpu.memory_space<vmem>>
      %dma_start3A_633 = tpu.memref_slice %arg4[%add3A_303] : memref<49152xf32, #tpu.memory_space<hbm>> -> memref<512xf32, #tpu.memory_space<hbm>>
      tpu.enqueue_dma source(%dma_start3A_633 : memref<512xf32, #tpu.memory_space<hbm>>) target(%dma_start3A_632 : memref<512xf32, #tpu.memory_space<vmem>>) target_semaphore(%run_scoped3A_625 : memref<!tpu.dma_semaphore, #tpu.memory_space<semaphore_mem>>)
      %dma_wait3A_634 = arith.constant 0 : i32
      %dma_wait3A_635 = tpu.memref_slice %arg17[%run_scoped3A_304, %dma_wait3A_634] : memref<6x512xf32, #tpu.memory_space<vmem>> -> memref<1x512xf32, #tpu.memory_space<vmem>>
      %dma_wait3A_636 = tpu.memref_squeeze %dma_wait3A_635 : memref<1x512xf32, #tpu.memory_space<vmem>> -> memref<512xf32, #tpu.memory_space<vmem>>
      %dma_wait3A_637 = tpu.memref_slice %arg4[%add3A_303] : memref<49152xf32, #tpu.memory_space<hbm>> -> memref<512xf32, #tpu.memory_space<hbm>>
      %dma_wait3A_638 = arith.constant 0 : i32
      %dma_wait3A_639 = tpu.memref_slice %arg17[%run_scoped3A_304, %dma_wait3A_638] : memref<6x512xf32, #tpu.memory_space<vmem>> -> memref<1x512xf32, #tpu.memory_space<vmem>>
      %dma_wait3A_640 = tpu.memref_squeeze %dma_wait3A_639 : memref<1x512xf32, #tpu.memory_space<vmem>> -> memref<512xf32, #tpu.memory_space<vmem>>
      %dma_wait3A_641 = tpu.memref_slice %arg4[%add3A_303] : memref<49152xf32, #tpu.memory_space<hbm>> -> memref<512xf32, #tpu.memory_space<hbm>>
      tpu.wait_dma2 semaphore(%run_scoped3A_625 : memref<!tpu.dma_semaphore, #tpu.memory_space<semaphore_mem>>) src(%dma_wait3A_641 : memref<512xf32, #tpu.memory_space<hbm>>) dst(%dma_wait3A_640 : memref<512xf32, #tpu.memory_space<vmem>>)
      tpu.yield
    }) : () -> ()
    %add3A_305 = arith.constant 16384 : i32
    %add3A_306 = arith.addi %add3A_305, %mul3A_2 : i32
    %run_scoped3A_307 = arith.constant 4 : i32
    "tpu.region"() ({
      %run_scoped3A_625 = tpu.sem_alloc : memref<!tpu.dma_semaphore, #tpu.memory_space<semaphore_mem>>
      %dma_start3A_626 = arith.constant 0 : i32
      %dma_start3A_627 = tpu.memref_slice %arg17[%run_scoped3A_307, %dma_start3A_626] : memref<6x512xf32, #tpu.memory_space<vmem>> -> memref<1x512xf32, #tpu.memory_space<vmem>>
      %dma_start3A_628 = tpu.memref_squeeze %dma_start3A_627 : memref<1x512xf32, #tpu.memory_space<vmem>> -> memref<512xf32, #tpu.memory_space<vmem>>
      %dma_start3A_629 = tpu.memref_slice %arg5[%add3A_306] : memref<49152xf32, #tpu.memory_space<hbm>> -> memref<512xf32, #tpu.memory_space<hbm>>
      %dma_start3A_630 = arith.constant 0 : i32
      %dma_start3A_631 = tpu.memref_slice %arg17[%run_scoped3A_307, %dma_start3A_630] : memref<6x512xf32, #tpu.memory_space<vmem>> -> memref<1x512xf32, #tpu.memory_space<vmem>>
      %dma_start3A_632 = tpu.memref_squeeze %dma_start3A_631 : memref<1x512xf32, #tpu.memory_space<vmem>> -> memref<512xf32, #tpu.memory_space<vmem>>
      %dma_start3A_633 = tpu.memref_slice %arg5[%add3A_306] : memref<49152xf32, #tpu.memory_space<hbm>> -> memref<512xf32, #tpu.memory_space<hbm>>
      tpu.enqueue_dma source(%dma_start3A_633 : memref<512xf32, #tpu.memory_space<hbm>>) target(%dma_start3A_632 : memref<512xf32, #tpu.memory_space<vmem>>) target_semaphore(%run_scoped3A_625 : memref<!tpu.dma_semaphore, #tpu.memory_space<semaphore_mem>>)
      %dma_wait3A_634 = arith.constant 0 : i32
      %dma_wait3A_635 = tpu.memref_slice %arg17[%run_scoped3A_307, %dma_wait3A_634] : memref<6x512xf32, #tpu.memory_space<vmem>> -> memref<1x512xf32, #tpu.memory_space<vmem>>
      %dma_wait3A_636 = tpu.memref_squeeze %dma_wait3A_635 : memref<1x512xf32, #tpu.memory_space<vmem>> -> memref<512xf32, #tpu.memory_space<vmem>>
      %dma_wait3A_637 = tpu.memref_slice %arg5[%add3A_306] : memref<49152xf32, #tpu.memory_space<hbm>> -> memref<512xf32, #tpu.memory_space<hbm>>
      %dma_wait3A_638 = arith.constant 0 : i32
      %dma_wait3A_639 = tpu.memref_slice %arg17[%run_scoped3A_307, %dma_wait3A_638] : memref<6x512xf32, #tpu.memory_space<vmem>> -> memref<1x512xf32, #tpu.memory_space<vmem>>
      %dma_wait3A_640 = tpu.memref_squeeze %dma_wait3A_639 : memref<1x512xf32, #tpu.memory_space<vmem>> -> memref<512xf32, #tpu.memory_space<vmem>>
      %dma_wait3A_641 = tpu.memref_slice %arg5[%add3A_306] : memref<49152xf32, #tpu.memory_space<hbm>> -> memref<512xf32, #tpu.memory_space<hbm>>
      tpu.wait_dma2 semaphore(%run_scoped3A_625 : memref<!tpu.dma_semaphore, #tpu.memory_space<semaphore_mem>>) src(%dma_wait3A_641 : memref<512xf32, #tpu.memory_space<hbm>>) dst(%dma_wait3A_640 : memref<512xf32, #tpu.memory_space<vmem>>)
      tpu.yield
    }) : () -> ()
    %add3A_308 = arith.constant 32768 : i32
    %add3A_309 = arith.addi %add3A_308, %mul3A_2 : i32
    %run_scoped3A_310 = arith.constant 2 : i32
    "tpu.region"() ({
      %run_scoped3A_625 = tpu.sem_alloc : memref<!tpu.dma_semaphore, #tpu.memory_space<semaphore_mem>>
      %dma_start3A_626 = arith.constant 0 : i32
      %dma_start3A_627 = tpu.memref_slice %arg17[%run_scoped3A_310, %dma_start3A_626] : memref<6x512xf32, #tpu.memory_space<vmem>> -> memref<1x512xf32, #tpu.memory_space<vmem>>
      %dma_start3A_628 = tpu.memref_squeeze %dma_start3A_627 : memref<1x512xf32, #tpu.memory_space<vmem>> -> memref<512xf32, #tpu.memory_space<vmem>>
      %dma_start3A_629 = tpu.memref_slice %arg4[%add3A_309] : memref<49152xf32, #tpu.memory_space<hbm>> -> memref<512xf32, #tpu.memory_space<hbm>>
      %dma_start3A_630 = arith.constant 0 : i32
      %dma_start3A_631 = tpu.memref_slice %arg17[%run_scoped3A_310, %dma_start3A_630] : memref<6x512xf32, #tpu.memory_space<vmem>> -> memref<1x512xf32, #tpu.memory_space<vmem>>
      %dma_start3A_632 = tpu.memref_squeeze %dma_start3A_631 : memref<1x512xf32, #tpu.memory_space<vmem>> -> memref<512xf32, #tpu.memory_space<vmem>>
      %dma_start3A_633 = tpu.memref_slice %arg4[%add3A_309] : memref<49152xf32, #tpu.memory_space<hbm>> -> memref<512xf32, #tpu.memory_space<hbm>>
      tpu.enqueue_dma source(%dma_start3A_633 : memref<512xf32, #tpu.memory_space<hbm>>) target(%dma_start3A_632 : memref<512xf32, #tpu.memory_space<vmem>>) target_semaphore(%run_scoped3A_625 : memref<!tpu.dma_semaphore, #tpu.memory_space<semaphore_mem>>)
      %dma_wait3A_634 = arith.constant 0 : i32
      %dma_wait3A_635 = tpu.memref_slice %arg17[%run_scoped3A_310, %dma_wait3A_634] : memref<6x512xf32, #tpu.memory_space<vmem>> -> memref<1x512xf32, #tpu.memory_space<vmem>>
      %dma_wait3A_636 = tpu.memref_squeeze %dma_wait3A_635 : memref<1x512xf32, #tpu.memory_space<vmem>> -> memref<512xf32, #tpu.memory_space<vmem>>
      %dma_wait3A_637 = tpu.memref_slice %arg4[%add3A_309] : memref<49152xf32, #tpu.memory_space<hbm>> -> memref<512xf32, #tpu.memory_space<hbm>>
      %dma_wait3A_638 = arith.constant 0 : i32
      %dma_wait3A_639 = tpu.memref_slice %arg17[%run_scoped3A_310, %dma_wait3A_638] : memref<6x512xf32, #tpu.memory_space<vmem>> -> memref<1x512xf32, #tpu.memory_space<vmem>>
      %dma_wait3A_640 = tpu.memref_squeeze %dma_wait3A_639 : memref<1x512xf32, #tpu.memory_space<vmem>> -> memref<512xf32, #tpu.memory_space<vmem>>
      %dma_wait3A_641 = tpu.memref_slice %arg4[%add3A_309] : memref<49152xf32, #tpu.memory_space<hbm>> -> memref<512xf32, #tpu.memory_space<hbm>>
      tpu.wait_dma2 semaphore(%run_scoped3A_625 : memref<!tpu.dma_semaphore, #tpu.memory_space<semaphore_mem>>) src(%dma_wait3A_641 : memref<512xf32, #tpu.memory_space<hbm>>) dst(%dma_wait3A_640 : memref<512xf32, #tpu.memory_space<vmem>>)
      tpu.yield
    }) : () -> ()
    %add3A_311 = arith.constant 32768 : i32
    %add3A_312 = arith.addi %add3A_311, %mul3A_2 : i32
    %run_scoped3A_313 = arith.constant 5 : i32
    "tpu.region"() ({
      %run_scoped3A_625 = tpu.sem_alloc : memref<!tpu.dma_semaphore, #tpu.memory_space<semaphore_mem>>
      %dma_start3A_626 = arith.constant 0 : i32
      %dma_start3A_627 = tpu.memref_slice %arg17[%run_scoped3A_313, %dma_start3A_626] : memref<6x512xf32, #tpu.memory_space<vmem>> -> memref<1x512xf32, #tpu.memory_space<vmem>>
      %dma_start3A_628 = tpu.memref_squeeze %dma_start3A_627 : memref<1x512xf32, #tpu.memory_space<vmem>> -> memref<512xf32, #tpu.memory_space<vmem>>
      %dma_start3A_629 = tpu.memref_slice %arg5[%add3A_312] : memref<49152xf32, #tpu.memory_space<hbm>> -> memref<512xf32, #tpu.memory_space<hbm>>
      %dma_start3A_630 = arith.constant 0 : i32
      %dma_start3A_631 = tpu.memref_slice %arg17[%run_scoped3A_313, %dma_start3A_630] : memref<6x512xf32, #tpu.memory_space<vmem>> -> memref<1x512xf32, #tpu.memory_space<vmem>>
      %dma_start3A_632 = tpu.memref_squeeze %dma_start3A_631 : memref<1x512xf32, #tpu.memory_space<vmem>> -> memref<512xf32, #tpu.memory_space<vmem>>
      %dma_start3A_633 = tpu.memref_slice %arg5[%add3A_312] : memref<49152xf32, #tpu.memory_space<hbm>> -> memref<512xf32, #tpu.memory_space<hbm>>
      tpu.enqueue_dma source(%dma_start3A_633 : memref<512xf32, #tpu.memory_space<hbm>>) target(%dma_start3A_632 : memref<512xf32, #tpu.memory_space<vmem>>) target_semaphore(%run_scoped3A_625 : memref<!tpu.dma_semaphore, #tpu.memory_space<semaphore_mem>>)
      %dma_wait3A_634 = arith.constant 0 : i32
      %dma_wait3A_635 = tpu.memref_slice %arg17[%run_scoped3A_313, %dma_wait3A_634] : memref<6x512xf32, #tpu.memory_space<vmem>> -> memref<1x512xf32, #tpu.memory_space<vmem>>
      %dma_wait3A_636 = tpu.memref_squeeze %dma_wait3A_635 : memref<1x512xf32, #tpu.memory_space<vmem>> -> memref<512xf32, #tpu.memory_space<vmem>>
      %dma_wait3A_637 = tpu.memref_slice %arg5[%add3A_312] : memref<49152xf32, #tpu.memory_space<hbm>> -> memref<512xf32, #tpu.memory_space<hbm>>
      %dma_wait3A_638 = arith.constant 0 : i32
      %dma_wait3A_639 = tpu.memref_slice %arg17[%run_scoped3A_313, %dma_wait3A_638] : memref<6x512xf32, #tpu.memory_space<vmem>> -> memref<1x512xf32, #tpu.memory_space<vmem>>
      %dma_wait3A_640 = tpu.memref_squeeze %dma_wait3A_639 : memref<1x512xf32, #tpu.memory_space<vmem>> -> memref<512xf32, #tpu.memory_space<vmem>>
      %dma_wait3A_641 = tpu.memref_slice %arg5[%add3A_312] : memref<49152xf32, #tpu.memory_space<hbm>> -> memref<512xf32, #tpu.memory_space<hbm>>
      tpu.wait_dma2 semaphore(%run_scoped3A_625 : memref<!tpu.dma_semaphore, #tpu.memory_space<semaphore_mem>>) src(%dma_wait3A_641 : memref<512xf32, #tpu.memory_space<hbm>>) dst(%dma_wait3A_640 : memref<512xf32, #tpu.memory_space<vmem>>)
      tpu.yield
    }) : () -> ()
    "tpu.region"() ({
      %run_scoped3A_625 = tpu.sem_alloc : memref<!tpu.dma_semaphore, #tpu.memory_space<semaphore_mem>>
      tpu.enqueue_dma source(%arg6 : memref<26xf32, #tpu.memory_space<hbm>>) target(%arg20 : memref<26xf32, #tpu.memory_space<vmem>>) target_semaphore(%run_scoped3A_625 : memref<!tpu.dma_semaphore, #tpu.memory_space<semaphore_mem>>)
      tpu.wait_dma2 semaphore(%run_scoped3A_625 : memref<!tpu.dma_semaphore, #tpu.memory_space<semaphore_mem>>) src(%arg6 : memref<26xf32, #tpu.memory_space<hbm>>) dst(%arg20 : memref<26xf32, #tpu.memory_space<vmem>>)
      tpu.yield
    }) : () -> ()
    %scan3A_314 = arith.constant 0 : i32
    %scan3A_315 = arith.constant 0 : i32
    %scan3A_316 = arith.constant 32 : i32
    %scan3A_317 = arith.addi %scan3A_315, %scan3A_316 : i32
    %scan3A_318 = arith.constant 1 : i32
    scf.for %scan3A_625 = %scan3A_315 to %scan3A_317 step %scan3A_318  : i32 {
      %mul3A_626 = arith.constant 16 : i32
      %mul3A_627 = arith.muli %scan3A_625, %mul3A_626 : i32
      %get3A = arith.index_cast %mul3A_627 : i32 to index
      %get3A_628 = tpu.vector_load %arg15[%get3A] {strides = array<i32>} : memref<512xi32, #tpu.memory_space<vmem>>, vector<16xi32>,
      %gather3A = tpu.vector_load_idx %arg20[%get3A_628] : memref<26xf32, #tpu.memory_space<vmem>>[vector<16xi32>], vector<16xf32>,
      %mul3A_629 = arith.constant 16 : i32
      %mul3A_630 = arith.muli %scan3A_625, %mul3A_629 : i32
      %swap3A = arith.index_cast %mul3A_630 : i32 to index
      %swap3A_631 = tpu.vector_load %arg19[%swap3A] {strides = array<i32>} : memref<512xf32, #tpu.memory_space<vmem>>, vector<16xf32>,
      tpu.vector_store %arg19[%swap3A], %gather3A {strides = array<i32>} : memref<512xf32, #tpu.memory_space<vmem>>, vector<16xf32>,
    }
    %scan3A_319 = arith.constant 32 : i32
    %dma_wait3A = arith.constant 0 : i32
    %dma_wait3A_320 = arith.constant 0 : i32
    %dma_wait3A_321 = arith.constant 0 : i32
    %dma_wait3A_322 = tpu.memref_slice %arg16[%dma_wait3A_320, %dma_wait3A_321] : memref<6x512xf32, #tpu.memory_space<vmem>> -> memref<1x512xf32, #tpu.memory_space<vmem>>
    %dma_wait3A_323 = tpu.memref_squeeze %dma_wait3A_322 : memref<1x512xf32, #tpu.memory_space<vmem>> -> memref<512xf32, #tpu.memory_space<vmem>>
    %dma_wait3A_324 = arith.constant 0 : i32
    %dma_wait3A_325 = tpu.memref_slice %dma_wait3A_323[%dma_wait3A_324] : memref<512xf32, #tpu.memory_space<vmem>> -> memref<128xf32, #tpu.memory_space<vmem>>
    %dma_wait3A_326 = arith.constant 0 : i32
    %dma_wait3A_327 = tpu.memref_slice %arg12[%dma_wait3A, %dma_wait3A_326] : memref<4x128xi32, #tpu.memory_space<vmem>> -> memref<1x128xi32, #tpu.memory_space<vmem>>
    %dma_wait3A_328 = tpu.memref_squeeze %dma_wait3A_327 : memref<1x128xi32, #tpu.memory_space<vmem>> -> memref<128xi32, #tpu.memory_space<vmem>>
    %dma_wait3A_329 = arith.constant 0 : i32
    %dma_wait3A_330 = tpu.memref_slice %arg2[%dma_wait3A_329] : memref<4001792xf32, #tpu.memory_space<hbm>> -> memref<4001792xf32, #tpu.memory_space<hbm>>
    tpu.wait_indirect_dma semaphore(%arg21 : memref<!tpu.dma_semaphore, #tpu.memory_space<semaphore_mem>>) src(%dma_wait3A_330 : memref<4001792xf32, #tpu.memory_space<hbm>>) dst(%dma_wait3A_325 : memref<128xf32, #tpu.memory_space<vmem>>)
    %dma_wait3A_331 = arith.constant 0 : i32
    %dma_wait3A_332 = arith.constant 3 : i32
    %dma_wait3A_333 = arith.constant 0 : i32
    %dma_wait3A_334 = tpu.memref_slice %arg16[%dma_wait3A_332, %dma_wait3A_333] : memref<6x512xf32, #tpu.memory_space<vmem>> -> memref<1x512xf32, #tpu.memory_space<vmem>>
    %dma_wait3A_335 = tpu.memref_squeeze %dma_wait3A_334 : memref<1x512xf32, #tpu.memory_space<vmem>> -> memref<512xf32, #tpu.memory_space<vmem>>
    %dma_wait3A_336 = arith.constant 0 : i32
    %dma_wait3A_337 = tpu.memref_slice %dma_wait3A_335[%dma_wait3A_336] : memref<512xf32, #tpu.memory_space<vmem>> -> memref<128xf32, #tpu.memory_space<vmem>>
    %dma_wait3A_338 = arith.constant 0 : i32
    %dma_wait3A_339 = tpu.memref_slice %arg12[%dma_wait3A_331, %dma_wait3A_338] : memref<4x128xi32, #tpu.memory_space<vmem>> -> memref<1x128xi32, #tpu.memory_space<vmem>>
    %dma_wait3A_340 = tpu.memref_squeeze %dma_wait3A_339 : memref<1x128xi32, #tpu.memory_space<vmem>> -> memref<128xi32, #tpu.memory_space<vmem>>
    %dma_wait3A_341 = arith.constant 0 : i32
    %dma_wait3A_342 = tpu.memref_slice %arg3[%dma_wait3A_341] : memref<4001792xf32, #tpu.memory_space<hbm>> -> memref<4001792xf32, #tpu.memory_space<hbm>>
    tpu.wait_indirect_dma semaphore(%arg22 : memref<!tpu.dma_semaphore, #tpu.memory_space<semaphore_mem>>) src(%dma_wait3A_342 : memref<4001792xf32, #tpu.memory_space<hbm>>) dst(%dma_wait3A_337 : memref<128xf32, #tpu.memory_space<vmem>>)
    %dma_wait3A_343 = arith.constant 0 : i32
    %dma_wait3A_344 = arith.constant 1 : i32
    %dma_wait3A_345 = arith.constant 0 : i32
    %dma_wait3A_346 = tpu.memref_slice %arg16[%dma_wait3A_344, %dma_wait3A_345] : memref<6x512xf32, #tpu.memory_space<vmem>> -> memref<1x512xf32, #tpu.memory_space<vmem>>
    %dma_wait3A_347 = tpu.memref_squeeze %dma_wait3A_346 : memref<1x512xf32, #tpu.memory_space<vmem>> -> memref<512xf32, #tpu.memory_space<vmem>>
    %dma_wait3A_348 = arith.constant 0 : i32
    %dma_wait3A_349 = tpu.memref_slice %dma_wait3A_347[%dma_wait3A_348] : memref<512xf32, #tpu.memory_space<vmem>> -> memref<128xf32, #tpu.memory_space<vmem>>
    %dma_wait3A_350 = arith.constant 0 : i32
    %dma_wait3A_351 = tpu.memref_slice %arg13[%dma_wait3A_343, %dma_wait3A_350] : memref<4x128xi32, #tpu.memory_space<vmem>> -> memref<1x128xi32, #tpu.memory_space<vmem>>
    %dma_wait3A_352 = tpu.memref_squeeze %dma_wait3A_351 : memref<1x128xi32, #tpu.memory_space<vmem>> -> memref<128xi32, #tpu.memory_space<vmem>>
    %dma_wait3A_353 = arith.constant 0 : i32
    %dma_wait3A_354 = tpu.memref_slice %arg2[%dma_wait3A_353] : memref<4001792xf32, #tpu.memory_space<hbm>> -> memref<4001792xf32, #tpu.memory_space<hbm>>
    tpu.wait_indirect_dma semaphore(%arg21 : memref<!tpu.dma_semaphore, #tpu.memory_space<semaphore_mem>>) src(%dma_wait3A_354 : memref<4001792xf32, #tpu.memory_space<hbm>>) dst(%dma_wait3A_349 : memref<128xf32, #tpu.memory_space<vmem>>)
    %dma_wait3A_355 = arith.constant 0 : i32
    %dma_wait3A_356 = arith.constant 4 : i32
    %dma_wait3A_357 = arith.constant 0 : i32
    %dma_wait3A_358 = tpu.memref_slice %arg16[%dma_wait3A_356, %dma_wait3A_357] : memref<6x512xf32, #tpu.memory_space<vmem>> -> memref<1x512xf32, #tpu.memory_space<vmem>>
    %dma_wait3A_359 = tpu.memref_squeeze %dma_wait3A_358 : memref<1x512xf32, #tpu.memory_space<vmem>> -> memref<512xf32, #tpu.memory_space<vmem>>
    %dma_wait3A_360 = arith.constant 0 : i32
    %dma_wait3A_361 = tpu.memref_slice %dma_wait3A_359[%dma_wait3A_360] : memref<512xf32, #tpu.memory_space<vmem>> -> memref<128xf32, #tpu.memory_space<vmem>>
    %dma_wait3A_362 = arith.constant 0 : i32
    %dma_wait3A_363 = tpu.memref_slice %arg13[%dma_wait3A_355, %dma_wait3A_362] : memref<4x128xi32, #tpu.memory_space<vmem>> -> memref<1x128xi32, #tpu.memory_space<vmem>>
    %dma_wait3A_364 = tpu.memref_squeeze %dma_wait3A_363 : memref<1x128xi32, #tpu.memory_space<vmem>> -> memref<128xi32, #tpu.memory_space<vmem>>
    %dma_wait3A_365 = arith.constant 0 : i32
    %dma_wait3A_366 = tpu.memref_slice %arg3[%dma_wait3A_365] : memref<4001792xf32, #tpu.memory_space<hbm>> -> memref<4001792xf32, #tpu.memory_space<hbm>>
    tpu.wait_indirect_dma semaphore(%arg22 : memref<!tpu.dma_semaphore, #tpu.memory_space<semaphore_mem>>) src(%dma_wait3A_366 : memref<4001792xf32, #tpu.memory_space<hbm>>) dst(%dma_wait3A_361 : memref<128xf32, #tpu.memory_space<vmem>>)
    %dma_wait3A_367 = arith.constant 0 : i32
    %dma_wait3A_368 = arith.constant 2 : i32
    %dma_wait3A_369 = arith.constant 0 : i32
    %dma_wait3A_370 = tpu.memref_slice %arg16[%dma_wait3A_368, %dma_wait3A_369] : memref<6x512xf32, #tpu.memory_space<vmem>> -> memref<1x512xf32, #tpu.memory_space<vmem>>
    %dma_wait3A_371 = tpu.memref_squeeze %dma_wait3A_370 : memref<1x512xf32, #tpu.memory_space<vmem>> -> memref<512xf32, #tpu.memory_space<vmem>>
    %dma_wait3A_372 = arith.constant 0 : i32
    %dma_wait3A_373 = tpu.memref_slice %dma_wait3A_371[%dma_wait3A_372] : memref<512xf32, #tpu.memory_space<vmem>> -> memref<128xf32, #tpu.memory_space<vmem>>
    %dma_wait3A_374 = arith.constant 0 : i32
    %dma_wait3A_375 = tpu.memref_slice %arg14[%dma_wait3A_367, %dma_wait3A_374] : memref<4x128xi32, #tpu.memory_space<vmem>> -> memref<1x128xi32, #tpu.memory_space<vmem>>
    %dma_wait3A_376 = tpu.memref_squeeze %dma_wait3A_375 : memref<1x128xi32, #tpu.memory_space<vmem>> -> memref<128xi32, #tpu.memory_space<vmem>>
    %dma_wait3A_377 = arith.constant 0 : i32
    %dma_wait3A_378 = tpu.memref_slice %arg2[%dma_wait3A_377] : memref<4001792xf32, #tpu.memory_space<hbm>> -> memref<4001792xf32, #tpu.memory_space<hbm>>
    tpu.wait_indirect_dma semaphore(%arg21 : memref<!tpu.dma_semaphore, #tpu.memory_space<semaphore_mem>>) src(%dma_wait3A_378 : memref<4001792xf32, #tpu.memory_space<hbm>>) dst(%dma_wait3A_373 : memref<128xf32, #tpu.memory_space<vmem>>)
    %dma_wait3A_379 = arith.constant 0 : i32
    %dma_wait3A_380 = arith.constant 5 : i32
    %dma_wait3A_381 = arith.constant 0 : i32
    %dma_wait3A_382 = tpu.memref_slice %arg16[%dma_wait3A_380, %dma_wait3A_381] : memref<6x512xf32, #tpu.memory_space<vmem>> -> memref<1x512xf32, #tpu.memory_space<vmem>>
    %dma_wait3A_383 = tpu.memref_squeeze %dma_wait3A_382 : memref<1x512xf32, #tpu.memory_space<vmem>> -> memref<512xf32, #tpu.memory_space<vmem>>
    %dma_wait3A_384 = arith.constant 0 : i32
    %dma_wait3A_385 = tpu.memref_slice %dma_wait3A_383[%dma_wait3A_384] : memref<512xf32, #tpu.memory_space<vmem>> -> memref<128xf32, #tpu.memory_space<vmem>>
    %dma_wait3A_386 = arith.constant 0 : i32
    %dma_wait3A_387 = tpu.memref_slice %arg14[%dma_wait3A_379, %dma_wait3A_386] : memref<4x128xi32, #tpu.memory_space<vmem>> -> memref<1x128xi32, #tpu.memory_space<vmem>>
    %dma_wait3A_388 = tpu.memref_squeeze %dma_wait3A_387 : memref<1x128xi32, #tpu.memory_space<vmem>> -> memref<128xi32, #tpu.memory_space<vmem>>
    %dma_wait3A_389 = arith.constant 0 : i32
    %dma_wait3A_390 = tpu.memref_slice %arg3[%dma_wait3A_389] : memref<4001792xf32, #tpu.memory_space<hbm>> -> memref<4001792xf32, #tpu.memory_space<hbm>>
    tpu.wait_indirect_dma semaphore(%arg22 : memref<!tpu.dma_semaphore, #tpu.memory_space<semaphore_mem>>) src(%dma_wait3A_390 : memref<4001792xf32, #tpu.memory_space<hbm>>) dst(%dma_wait3A_385 : memref<128xf32, #tpu.memory_space<vmem>>)
    %dma_wait3A_391 = arith.constant 1 : i32
    %dma_wait3A_392 = arith.constant 0 : i32
    %dma_wait3A_393 = arith.constant 0 : i32
    %dma_wait3A_394 = tpu.memref_slice %arg16[%dma_wait3A_392, %dma_wait3A_393] : memref<6x512xf32, #tpu.memory_space<vmem>> -> memref<1x512xf32, #tpu.memory_space<vmem>>
    %dma_wait3A_395 = tpu.memref_squeeze %dma_wait3A_394 : memref<1x512xf32, #tpu.memory_space<vmem>> -> memref<512xf32, #tpu.memory_space<vmem>>
    %dma_wait3A_396 = arith.constant 128 : i32
    %dma_wait3A_397 = tpu.memref_slice %dma_wait3A_395[%dma_wait3A_396] : memref<512xf32, #tpu.memory_space<vmem>> -> memref<128xf32, #tpu.memory_space<vmem>>
    %dma_wait3A_398 = arith.constant 0 : i32
    %dma_wait3A_399 = tpu.memref_slice %arg12[%dma_wait3A_391, %dma_wait3A_398] : memref<4x128xi32, #tpu.memory_space<vmem>> -> memref<1x128xi32, #tpu.memory_space<vmem>>
    %dma_wait3A_400 = tpu.memref_squeeze %dma_wait3A_399 : memref<1x128xi32, #tpu.memory_space<vmem>> -> memref<128xi32, #tpu.memory_space<vmem>>
    %dma_wait3A_401 = arith.constant 0 : i32
    %dma_wait3A_402 = tpu.memref_slice %arg2[%dma_wait3A_401] : memref<4001792xf32, #tpu.memory_space<hbm>> -> memref<4001792xf32, #tpu.memory_space<hbm>>
    tpu.wait_indirect_dma semaphore(%arg21 : memref<!tpu.dma_semaphore, #tpu.memory_space<semaphore_mem>>) src(%dma_wait3A_402 : memref<4001792xf32, #tpu.memory_space<hbm>>) dst(%dma_wait3A_397 : memref<128xf32, #tpu.memory_space<vmem>>)
    %dma_wait3A_403 = arith.constant 1 : i32
    %dma_wait3A_404 = arith.constant 3 : i32
    %dma_wait3A_405 = arith.constant 0 : i32
    %dma_wait3A_406 = tpu.memref_slice %arg16[%dma_wait3A_404, %dma_wait3A_405] : memref<6x512xf32, #tpu.memory_space<vmem>> -> memref<1x512xf32, #tpu.memory_space<vmem>>
    %dma_wait3A_407 = tpu.memref_squeeze %dma_wait3A_406 : memref<1x512xf32, #tpu.memory_space<vmem>> -> memref<512xf32, #tpu.memory_space<vmem>>
    %dma_wait3A_408 = arith.constant 128 : i32
    %dma_wait3A_409 = tpu.memref_slice %dma_wait3A_407[%dma_wait3A_408] : memref<512xf32, #tpu.memory_space<vmem>> -> memref<128xf32, #tpu.memory_space<vmem>>
    %dma_wait3A_410 = arith.constant 0 : i32
    %dma_wait3A_411 = tpu.memref_slice %arg12[%dma_wait3A_403, %dma_wait3A_410] : memref<4x128xi32, #tpu.memory_space<vmem>> -> memref<1x128xi32, #tpu.memory_space<vmem>>
    %dma_wait3A_412 = tpu.memref_squeeze %dma_wait3A_411 : memref<1x128xi32, #tpu.memory_space<vmem>> -> memref<128xi32, #tpu.memory_space<vmem>>
    %dma_wait3A_413 = arith.constant 0 : i32
    %dma_wait3A_414 = tpu.memref_slice %arg3[%dma_wait3A_413] : memref<4001792xf32, #tpu.memory_space<hbm>> -> memref<4001792xf32, #tpu.memory_space<hbm>>
    tpu.wait_indirect_dma semaphore(%arg22 : memref<!tpu.dma_semaphore, #tpu.memory_space<semaphore_mem>>) src(%dma_wait3A_414 : memref<4001792xf32, #tpu.memory_space<hbm>>) dst(%dma_wait3A_409 : memref<128xf32, #tpu.memory_space<vmem>>)
    %dma_wait3A_415 = arith.constant 1 : i32
    %dma_wait3A_416 = arith.constant 1 : i32
    %dma_wait3A_417 = arith.constant 0 : i32
    %dma_wait3A_418 = tpu.memref_slice %arg16[%dma_wait3A_416, %dma_wait3A_417] : memref<6x512xf32, #tpu.memory_space<vmem>> -> memref<1x512xf32, #tpu.memory_space<vmem>>
    %dma_wait3A_419 = tpu.memref_squeeze %dma_wait3A_418 : memref<1x512xf32, #tpu.memory_space<vmem>> -> memref<512xf32, #tpu.memory_space<vmem>>
    %dma_wait3A_420 = arith.constant 128 : i32
    %dma_wait3A_421 = tpu.memref_slice %dma_wait3A_419[%dma_wait3A_420] : memref<512xf32, #tpu.memory_space<vmem>> -> memref<128xf32, #tpu.memory_space<vmem>>
    %dma_wait3A_422 = arith.constant 0 : i32
    %dma_wait3A_423 = tpu.memref_slice %arg13[%dma_wait3A_415, %dma_wait3A_422] : memref<4x128xi32, #tpu.memory_space<vmem>> -> memref<1x128xi32, #tpu.memory_space<vmem>>
    %dma_wait3A_424 = tpu.memref_squeeze %dma_wait3A_423 : memref<1x128xi32, #tpu.memory_space<vmem>> -> memref<128xi32, #tpu.memory_space<vmem>>
    %dma_wait3A_425 = arith.constant 0 : i32
    %dma_wait3A_426 = tpu.memref_slice %arg2[%dma_wait3A_425] : memref<4001792xf32, #tpu.memory_space<hbm>> -> memref<4001792xf32, #tpu.memory_space<hbm>>
    tpu.wait_indirect_dma semaphore(%arg21 : memref<!tpu.dma_semaphore, #tpu.memory_space<semaphore_mem>>) src(%dma_wait3A_426 : memref<4001792xf32, #tpu.memory_space<hbm>>) dst(%dma_wait3A_421 : memref<128xf32, #tpu.memory_space<vmem>>)
    %dma_wait3A_427 = arith.constant 1 : i32
    %dma_wait3A_428 = arith.constant 4 : i32
    %dma_wait3A_429 = arith.constant 0 : i32
    %dma_wait3A_430 = tpu.memref_slice %arg16[%dma_wait3A_428, %dma_wait3A_429] : memref<6x512xf32, #tpu.memory_space<vmem>> -> memref<1x512xf32, #tpu.memory_space<vmem>>
    %dma_wait3A_431 = tpu.memref_squeeze %dma_wait3A_430 : memref<1x512xf32, #tpu.memory_space<vmem>> -> memref<512xf32, #tpu.memory_space<vmem>>
    %dma_wait3A_432 = arith.constant 128 : i32
    %dma_wait3A_433 = tpu.memref_slice %dma_wait3A_431[%dma_wait3A_432] : memref<512xf32, #tpu.memory_space<vmem>> -> memref<128xf32, #tpu.memory_space<vmem>>
    %dma_wait3A_434 = arith.constant 0 : i32
    %dma_wait3A_435 = tpu.memref_slice %arg13[%dma_wait3A_427, %dma_wait3A_434] : memref<4x128xi32, #tpu.memory_space<vmem>> -> memref<1x128xi32, #tpu.memory_space<vmem>>
    %dma_wait3A_436 = tpu.memref_squeeze %dma_wait3A_435 : memref<1x128xi32, #tpu.memory_space<vmem>> -> memref<128xi32, #tpu.memory_space<vmem>>
    %dma_wait3A_437 = arith.constant 0 : i32
    %dma_wait3A_438 = tpu.memref_slice %arg3[%dma_wait3A_437] : memref<4001792xf32, #tpu.memory_space<hbm>> -> memref<4001792xf32, #tpu.memory_space<hbm>>
    tpu.wait_indirect_dma semaphore(%arg22 : memref<!tpu.dma_semaphore, #tpu.memory_space<semaphore_mem>>) src(%dma_wait3A_438 : memref<4001792xf32, #tpu.memory_space<hbm>>) dst(%dma_wait3A_433 : memref<128xf32, #tpu.memory_space<vmem>>)
    %dma_wait3A_439 = arith.constant 1 : i32
    %dma_wait3A_440 = arith.constant 2 : i32
    %dma_wait3A_441 = arith.constant 0 : i32
    %dma_wait3A_442 = tpu.memref_slice %arg16[%dma_wait3A_440, %dma_wait3A_441] : memref<6x512xf32, #tpu.memory_space<vmem>> -> memref<1x512xf32, #tpu.memory_space<vmem>>
    %dma_wait3A_443 = tpu.memref_squeeze %dma_wait3A_442 : memref<1x512xf32, #tpu.memory_space<vmem>> -> memref<512xf32, #tpu.memory_space<vmem>>
    %dma_wait3A_444 = arith.constant 128 : i32
    %dma_wait3A_445 = tpu.memref_slice %dma_wait3A_443[%dma_wait3A_444] : memref<512xf32, #tpu.memory_space<vmem>> -> memref<128xf32, #tpu.memory_space<vmem>>
    %dma_wait3A_446 = arith.constant 0 : i32
    %dma_wait3A_447 = tpu.memref_slice %arg14[%dma_wait3A_439, %dma_wait3A_446] : memref<4x128xi32, #tpu.memory_space<vmem>> -> memref<1x128xi32, #tpu.memory_space<vmem>>
    %dma_wait3A_448 = tpu.memref_squeeze %dma_wait3A_447 : memref<1x128xi32, #tpu.memory_space<vmem>> -> memref<128xi32, #tpu.memory_space<vmem>>
    %dma_wait3A_449 = arith.constant 0 : i32
    %dma_wait3A_450 = tpu.memref_slice %arg2[%dma_wait3A_449] : memref<4001792xf32, #tpu.memory_space<hbm>> -> memref<4001792xf32, #tpu.memory_space<hbm>>
    tpu.wait_indirect_dma semaphore(%arg21 : memref<!tpu.dma_semaphore, #tpu.memory_space<semaphore_mem>>) src(%dma_wait3A_450 : memref<4001792xf32, #tpu.memory_space<hbm>>) dst(%dma_wait3A_445 : memref<128xf32, #tpu.memory_space<vmem>>)
    %dma_wait3A_451 = arith.constant 1 : i32
    %dma_wait3A_452 = arith.constant 5 : i32
    %dma_wait3A_453 = arith.constant 0 : i32
    %dma_wait3A_454 = tpu.memref_slice %arg16[%dma_wait3A_452, %dma_wait3A_453] : memref<6x512xf32, #tpu.memory_space<vmem>> -> memref<1x512xf32, #tpu.memory_space<vmem>>
    %dma_wait3A_455 = tpu.memref_squeeze %dma_wait3A_454 : memref<1x512xf32, #tpu.memory_space<vmem>> -> memref<512xf32, #tpu.memory_space<vmem>>
    %dma_wait3A_456 = arith.constant 128 : i32
    %dma_wait3A_457 = tpu.memref_slice %dma_wait3A_455[%dma_wait3A_456] : memref<512xf32, #tpu.memory_space<vmem>> -> memref<128xf32, #tpu.memory_space<vmem>>
    %dma_wait3A_458 = arith.constant 0 : i32
    %dma_wait3A_459 = tpu.memref_slice %arg14[%dma_wait3A_451, %dma_wait3A_458] : memref<4x128xi32, #tpu.memory_space<vmem>> -> memref<1x128xi32, #tpu.memory_space<vmem>>
    %dma_wait3A_460 = tpu.memref_squeeze %dma_wait3A_459 : memref<1x128xi32, #tpu.memory_space<vmem>> -> memref<128xi32, #tpu.memory_space<vmem>>
    %dma_wait3A_461 = arith.constant 0 : i32
    %dma_wait3A_462 = tpu.memref_slice %arg3[%dma_wait3A_461] : memref<4001792xf32, #tpu.memory_space<hbm>> -> memref<4001792xf32, #tpu.memory_space<hbm>>
    tpu.wait_indirect_dma semaphore(%arg22 : memref<!tpu.dma_semaphore, #tpu.memory_space<semaphore_mem>>) src(%dma_wait3A_462 : memref<4001792xf32, #tpu.memory_space<hbm>>) dst(%dma_wait3A_457 : memref<128xf32, #tpu.memory_space<vmem>>)
    %dma_wait3A_463 = arith.constant 2 : i32
    %dma_wait3A_464 = arith.constant 0 : i32
    %dma_wait3A_465 = arith.constant 0 : i32
    %dma_wait3A_466 = tpu.memref_slice %arg16[%dma_wait3A_464, %dma_wait3A_465] : memref<6x512xf32, #tpu.memory_space<vmem>> -> memref<1x512xf32, #tpu.memory_space<vmem>>
    %dma_wait3A_467 = tpu.memref_squeeze %dma_wait3A_466 : memref<1x512xf32, #tpu.memory_space<vmem>> -> memref<512xf32, #tpu.memory_space<vmem>>
    %dma_wait3A_468 = arith.constant 256 : i32
    %dma_wait3A_469 = tpu.memref_slice %dma_wait3A_467[%dma_wait3A_468] : memref<512xf32, #tpu.memory_space<vmem>> -> memref<128xf32, #tpu.memory_space<vmem>>
    %dma_wait3A_470 = arith.constant 0 : i32
    %dma_wait3A_471 = tpu.memref_slice %arg12[%dma_wait3A_463, %dma_wait3A_470] : memref<4x128xi32, #tpu.memory_space<vmem>> -> memref<1x128xi32, #tpu.memory_space<vmem>>
    %dma_wait3A_472 = tpu.memref_squeeze %dma_wait3A_471 : memref<1x128xi32, #tpu.memory_space<vmem>> -> memref<128xi32, #tpu.memory_space<vmem>>
    %dma_wait3A_473 = arith.constant 0 : i32
    %dma_wait3A_474 = tpu.memref_slice %arg2[%dma_wait3A_473] : memref<4001792xf32, #tpu.memory_space<hbm>> -> memref<4001792xf32, #tpu.memory_space<hbm>>
    tpu.wait_indirect_dma semaphore(%arg21 : memref<!tpu.dma_semaphore, #tpu.memory_space<semaphore_mem>>) src(%dma_wait3A_474 : memref<4001792xf32, #tpu.memory_space<hbm>>) dst(%dma_wait3A_469 : memref<128xf32, #tpu.memory_space<vmem>>)
    %dma_wait3A_475 = arith.constant 2 : i32
    %dma_wait3A_476 = arith.constant 3 : i32
    %dma_wait3A_477 = arith.constant 0 : i32
    %dma_wait3A_478 = tpu.memref_slice %arg16[%dma_wait3A_476, %dma_wait3A_477] : memref<6x512xf32, #tpu.memory_space<vmem>> -> memref<1x512xf32, #tpu.memory_space<vmem>>
    %dma_wait3A_479 = tpu.memref_squeeze %dma_wait3A_478 : memref<1x512xf32, #tpu.memory_space<vmem>> -> memref<512xf32, #tpu.memory_space<vmem>>
    %dma_wait3A_480 = arith.constant 256 : i32
    %dma_wait3A_481 = tpu.memref_slice %dma_wait3A_479[%dma_wait3A_480] : memref<512xf32, #tpu.memory_space<vmem>> -> memref<128xf32, #tpu.memory_space<vmem>>
    %dma_wait3A_482 = arith.constant 0 : i32
    %dma_wait3A_483 = tpu.memref_slice %arg12[%dma_wait3A_475, %dma_wait3A_482] : memref<4x128xi32, #tpu.memory_space<vmem>> -> memref<1x128xi32, #tpu.memory_space<vmem>>
    %dma_wait3A_484 = tpu.memref_squeeze %dma_wait3A_483 : memref<1x128xi32, #tpu.memory_space<vmem>> -> memref<128xi32, #tpu.memory_space<vmem>>
    %dma_wait3A_485 = arith.constant 0 : i32
    %dma_wait3A_486 = tpu.memref_slice %arg3[%dma_wait3A_485] : memref<4001792xf32, #tpu.memory_space<hbm>> -> memref<4001792xf32, #tpu.memory_space<hbm>>
    tpu.wait_indirect_dma semaphore(%arg22 : memref<!tpu.dma_semaphore, #tpu.memory_space<semaphore_mem>>) src(%dma_wait3A_486 : memref<4001792xf32, #tpu.memory_space<hbm>>) dst(%dma_wait3A_481 : memref<128xf32, #tpu.memory_space<vmem>>)
    %dma_wait3A_487 = arith.constant 2 : i32
    %dma_wait3A_488 = arith.constant 1 : i32
    %dma_wait3A_489 = arith.constant 0 : i32
    %dma_wait3A_490 = tpu.memref_slice %arg16[%dma_wait3A_488, %dma_wait3A_489] : memref<6x512xf32, #tpu.memory_space<vmem>> -> memref<1x512xf32, #tpu.memory_space<vmem>>
    %dma_wait3A_491 = tpu.memref_squeeze %dma_wait3A_490 : memref<1x512xf32, #tpu.memory_space<vmem>> -> memref<512xf32, #tpu.memory_space<vmem>>
    %dma_wait3A_492 = arith.constant 256 : i32
    %dma_wait3A_493 = tpu.memref_slice %dma_wait3A_491[%dma_wait3A_492] : memref<512xf32, #tpu.memory_space<vmem>> -> memref<128xf32, #tpu.memory_space<vmem>>
    %dma_wait3A_494 = arith.constant 0 : i32
    %dma_wait3A_495 = tpu.memref_slice %arg13[%dma_wait3A_487, %dma_wait3A_494] : memref<4x128xi32, #tpu.memory_space<vmem>> -> memref<1x128xi32, #tpu.memory_space<vmem>>
    %dma_wait3A_496 = tpu.memref_squeeze %dma_wait3A_495 : memref<1x128xi32, #tpu.memory_space<vmem>> -> memref<128xi32, #tpu.memory_space<vmem>>
    %dma_wait3A_497 = arith.constant 0 : i32
    %dma_wait3A_498 = tpu.memref_slice %arg2[%dma_wait3A_497] : memref<4001792xf32, #tpu.memory_space<hbm>> -> memref<4001792xf32, #tpu.memory_space<hbm>>
    tpu.wait_indirect_dma semaphore(%arg21 : memref<!tpu.dma_semaphore, #tpu.memory_space<semaphore_mem>>) src(%dma_wait3A_498 : memref<4001792xf32, #tpu.memory_space<hbm>>) dst(%dma_wait3A_493 : memref<128xf32, #tpu.memory_space<vmem>>)
    %dma_wait3A_499 = arith.constant 2 : i32
    %dma_wait3A_500 = arith.constant 4 : i32
    %dma_wait3A_501 = arith.constant 0 : i32
    %dma_wait3A_502 = tpu.memref_slice %arg16[%dma_wait3A_500, %dma_wait3A_501] : memref<6x512xf32, #tpu.memory_space<vmem>> -> memref<1x512xf32, #tpu.memory_space<vmem>>
    %dma_wait3A_503 = tpu.memref_squeeze %dma_wait3A_502 : memref<1x512xf32, #tpu.memory_space<vmem>> -> memref<512xf32, #tpu.memory_space<vmem>>
    %dma_wait3A_504 = arith.constant 256 : i32
    %dma_wait3A_505 = tpu.memref_slice %dma_wait3A_503[%dma_wait3A_504] : memref<512xf32, #tpu.memory_space<vmem>> -> memref<128xf32, #tpu.memory_space<vmem>>
    %dma_wait3A_506 = arith.constant 0 : i32
    %dma_wait3A_507 = tpu.memref_slice %arg13[%dma_wait3A_499, %dma_wait3A_506] : memref<4x128xi32, #tpu.memory_space<vmem>> -> memref<1x128xi32, #tpu.memory_space<vmem>>
    %dma_wait3A_508 = tpu.memref_squeeze %dma_wait3A_507 : memref<1x128xi32, #tpu.memory_space<vmem>> -> memref<128xi32, #tpu.memory_space<vmem>>
    %dma_wait3A_509 = arith.constant 0 : i32
    %dma_wait3A_510 = tpu.memref_slice %arg3[%dma_wait3A_509] : memref<4001792xf32, #tpu.memory_space<hbm>> -> memref<4001792xf32, #tpu.memory_space<hbm>>
    tpu.wait_indirect_dma semaphore(%arg22 : memref<!tpu.dma_semaphore, #tpu.memory_space<semaphore_mem>>) src(%dma_wait3A_510 : memref<4001792xf32, #tpu.memory_space<hbm>>) dst(%dma_wait3A_505 : memref<128xf32, #tpu.memory_space<vmem>>)
    %dma_wait3A_511 = arith.constant 2 : i32
    %dma_wait3A_512 = arith.constant 2 : i32
    %dma_wait3A_513 = arith.constant 0 : i32
    %dma_wait3A_514 = tpu.memref_slice %arg16[%dma_wait3A_512, %dma_wait3A_513] : memref<6x512xf32, #tpu.memory_space<vmem>> -> memref<1x512xf32, #tpu.memory_space<vmem>>
    %dma_wait3A_515 = tpu.memref_squeeze %dma_wait3A_514 : memref<1x512xf32, #tpu.memory_space<vmem>> -> memref<512xf32, #tpu.memory_space<vmem>>
    %dma_wait3A_516 = arith.constant 256 : i32
    %dma_wait3A_517 = tpu.memref_slice %dma_wait3A_515[%dma_wait3A_516] : memref<512xf32, #tpu.memory_space<vmem>> -> memref<128xf32, #tpu.memory_space<vmem>>
    %dma_wait3A_518 = arith.constant 0 : i32
    %dma_wait3A_519 = tpu.memref_slice %arg14[%dma_wait3A_511, %dma_wait3A_518] : memref<4x128xi32, #tpu.memory_space<vmem>> -> memref<1x128xi32, #tpu.memory_space<vmem>>
    %dma_wait3A_520 = tpu.memref_squeeze %dma_wait3A_519 : memref<1x128xi32, #tpu.memory_space<vmem>> -> memref<128xi32, #tpu.memory_space<vmem>>
    %dma_wait3A_521 = arith.constant 0 : i32
    %dma_wait3A_522 = tpu.memref_slice %arg2[%dma_wait3A_521] : memref<4001792xf32, #tpu.memory_space<hbm>> -> memref<4001792xf32, #tpu.memory_space<hbm>>
    tpu.wait_indirect_dma semaphore(%arg21 : memref<!tpu.dma_semaphore, #tpu.memory_space<semaphore_mem>>) src(%dma_wait3A_522 : memref<4001792xf32, #tpu.memory_space<hbm>>) dst(%dma_wait3A_517 : memref<128xf32, #tpu.memory_space<vmem>>)
    %dma_wait3A_523 = arith.constant 2 : i32
    %dma_wait3A_524 = arith.constant 5 : i32
    %dma_wait3A_525 = arith.constant 0 : i32
    %dma_wait3A_526 = tpu.memref_slice %arg16[%dma_wait3A_524, %dma_wait3A_525] : memref<6x512xf32, #tpu.memory_space<vmem>> -> memref<1x512xf32, #tpu.memory_space<vmem>>
    %dma_wait3A_527 = tpu.memref_squeeze %dma_wait3A_526 : memref<1x512xf32, #tpu.memory_space<vmem>> -> memref<512xf32, #tpu.memory_space<vmem>>
    %dma_wait3A_528 = arith.constant 256 : i32
    %dma_wait3A_529 = tpu.memref_slice %dma_wait3A_527[%dma_wait3A_528] : memref<512xf32, #tpu.memory_space<vmem>> -> memref<128xf32, #tpu.memory_space<vmem>>
    %dma_wait3A_530 = arith.constant 0 : i32
    %dma_wait3A_531 = tpu.memref_slice %arg14[%dma_wait3A_523, %dma_wait3A_530] : memref<4x128xi32, #tpu.memory_space<vmem>> -> memref<1x128xi32, #tpu.memory_space<vmem>>
    %dma_wait3A_532 = tpu.memref_squeeze %dma_wait3A_531 : memref<1x128xi32, #tpu.memory_space<vmem>> -> memref<128xi32, #tpu.memory_space<vmem>>
    %dma_wait3A_533 = arith.constant 0 : i32
    %dma_wait3A_534 = tpu.memref_slice %arg3[%dma_wait3A_533] : memref<4001792xf32, #tpu.memory_space<hbm>> -> memref<4001792xf32, #tpu.memory_space<hbm>>
    tpu.wait_indirect_dma semaphore(%arg22 : memref<!tpu.dma_semaphore, #tpu.memory_space<semaphore_mem>>) src(%dma_wait3A_534 : memref<4001792xf32, #tpu.memory_space<hbm>>) dst(%dma_wait3A_529 : memref<128xf32, #tpu.memory_space<vmem>>)
    %dma_wait3A_535 = arith.constant 3 : i32
    %dma_wait3A_536 = arith.constant 0 : i32
    %dma_wait3A_537 = arith.constant 0 : i32
    %dma_wait3A_538 = tpu.memref_slice %arg16[%dma_wait3A_536, %dma_wait3A_537] : memref<6x512xf32, #tpu.memory_space<vmem>> -> memref<1x512xf32, #tpu.memory_space<vmem>>
    %dma_wait3A_539 = tpu.memref_squeeze %dma_wait3A_538 : memref<1x512xf32, #tpu.memory_space<vmem>> -> memref<512xf32, #tpu.memory_space<vmem>>
    %dma_wait3A_540 = arith.constant 384 : i32
    %dma_wait3A_541 = tpu.memref_slice %dma_wait3A_539[%dma_wait3A_540] : memref<512xf32, #tpu.memory_space<vmem>> -> memref<128xf32, #tpu.memory_space<vmem>>
    %dma_wait3A_542 = arith.constant 0 : i32
    %dma_wait3A_543 = tpu.memref_slice %arg12[%dma_wait3A_535, %dma_wait3A_542] : memref<4x128xi32, #tpu.memory_space<vmem>> -> memref<1x128xi32, #tpu.memory_space<vmem>>
    %dma_wait3A_544 = tpu.memref_squeeze %dma_wait3A_543 : memref<1x128xi32, #tpu.memory_space<vmem>> -> memref<128xi32, #tpu.memory_space<vmem>>
    %dma_wait3A_545 = arith.constant 0 : i32
    %dma_wait3A_546 = tpu.memref_slice %arg2[%dma_wait3A_545] : memref<4001792xf32, #tpu.memory_space<hbm>> -> memref<4001792xf32, #tpu.memory_space<hbm>>
    tpu.wait_indirect_dma semaphore(%arg21 : memref<!tpu.dma_semaphore, #tpu.memory_space<semaphore_mem>>) src(%dma_wait3A_546 : memref<4001792xf32, #tpu.memory_space<hbm>>) dst(%dma_wait3A_541 : memref<128xf32, #tpu.memory_space<vmem>>)
    %dma_wait3A_547 = arith.constant 3 : i32
    %dma_wait3A_548 = arith.constant 3 : i32
    %dma_wait3A_549 = arith.constant 0 : i32
    %dma_wait3A_550 = tpu.memref_slice %arg16[%dma_wait3A_548, %dma_wait3A_549] : memref<6x512xf32, #tpu.memory_space<vmem>> -> memref<1x512xf32, #tpu.memory_space<vmem>>
    %dma_wait3A_551 = tpu.memref_squeeze %dma_wait3A_550 : memref<1x512xf32, #tpu.memory_space<vmem>> -> memref<512xf32, #tpu.memory_space<vmem>>
    %dma_wait3A_552 = arith.constant 384 : i32
    %dma_wait3A_553 = tpu.memref_slice %dma_wait3A_551[%dma_wait3A_552] : memref<512xf32, #tpu.memory_space<vmem>> -> memref<128xf32, #tpu.memory_space<vmem>>
    %dma_wait3A_554 = arith.constant 0 : i32
    %dma_wait3A_555 = tpu.memref_slice %arg12[%dma_wait3A_547, %dma_wait3A_554] : memref<4x128xi32, #tpu.memory_space<vmem>> -> memref<1x128xi32, #tpu.memory_space<vmem>>
    %dma_wait3A_556 = tpu.memref_squeeze %dma_wait3A_555 : memref<1x128xi32, #tpu.memory_space<vmem>> -> memref<128xi32, #tpu.memory_space<vmem>>
    %dma_wait3A_557 = arith.constant 0 : i32
    %dma_wait3A_558 = tpu.memref_slice %arg3[%dma_wait3A_557] : memref<4001792xf32, #tpu.memory_space<hbm>> -> memref<4001792xf32, #tpu.memory_space<hbm>>
    tpu.wait_indirect_dma semaphore(%arg22 : memref<!tpu.dma_semaphore, #tpu.memory_space<semaphore_mem>>) src(%dma_wait3A_558 : memref<4001792xf32, #tpu.memory_space<hbm>>) dst(%dma_wait3A_553 : memref<128xf32, #tpu.memory_space<vmem>>)
    %dma_wait3A_559 = arith.constant 3 : i32
    %dma_wait3A_560 = arith.constant 1 : i32
    %dma_wait3A_561 = arith.constant 0 : i32
    %dma_wait3A_562 = tpu.memref_slice %arg16[%dma_wait3A_560, %dma_wait3A_561] : memref<6x512xf32, #tpu.memory_space<vmem>> -> memref<1x512xf32, #tpu.memory_space<vmem>>
    %dma_wait3A_563 = tpu.memref_squeeze %dma_wait3A_562 : memref<1x512xf32, #tpu.memory_space<vmem>> -> memref<512xf32, #tpu.memory_space<vmem>>
    %dma_wait3A_564 = arith.constant 384 : i32
    %dma_wait3A_565 = tpu.memref_slice %dma_wait3A_563[%dma_wait3A_564] : memref<512xf32, #tpu.memory_space<vmem>> -> memref<128xf32, #tpu.memory_space<vmem>>
    %dma_wait3A_566 = arith.constant 0 : i32
    %dma_wait3A_567 = tpu.memref_slice %arg13[%dma_wait3A_559, %dma_wait3A_566] : memref<4x128xi32, #tpu.memory_space<vmem>> -> memref<1x128xi32, #tpu.memory_space<vmem>>
    %dma_wait3A_568 = tpu.memref_squeeze %dma_wait3A_567 : memref<1x128xi32, #tpu.memory_space<vmem>> -> memref<128xi32, #tpu.memory_space<vmem>>
    %dma_wait3A_569 = arith.constant 0 : i32
    %dma_wait3A_570 = tpu.memref_slice %arg2[%dma_wait3A_569] : memref<4001792xf32, #tpu.memory_space<hbm>> -> memref<4001792xf32, #tpu.memory_space<hbm>>
    tpu.wait_indirect_dma semaphore(%arg21 : memref<!tpu.dma_semaphore, #tpu.memory_space<semaphore_mem>>) src(%dma_wait3A_570 : memref<4001792xf32, #tpu.memory_space<hbm>>) dst(%dma_wait3A_565 : memref<128xf32, #tpu.memory_space<vmem>>)
    %dma_wait3A_571 = arith.constant 3 : i32
    %dma_wait3A_572 = arith.constant 4 : i32
    %dma_wait3A_573 = arith.constant 0 : i32
    %dma_wait3A_574 = tpu.memref_slice %arg16[%dma_wait3A_572, %dma_wait3A_573] : memref<6x512xf32, #tpu.memory_space<vmem>> -> memref<1x512xf32, #tpu.memory_space<vmem>>
    %dma_wait3A_575 = tpu.memref_squeeze %dma_wait3A_574 : memref<1x512xf32, #tpu.memory_space<vmem>> -> memref<512xf32, #tpu.memory_space<vmem>>
    %dma_wait3A_576 = arith.constant 384 : i32
    %dma_wait3A_577 = tpu.memref_slice %dma_wait3A_575[%dma_wait3A_576] : memref<512xf32, #tpu.memory_space<vmem>> -> memref<128xf32, #tpu.memory_space<vmem>>
    %dma_wait3A_578 = arith.constant 0 : i32
    %dma_wait3A_579 = tpu.memref_slice %arg13[%dma_wait3A_571, %dma_wait3A_578] : memref<4x128xi32, #tpu.memory_space<vmem>> -> memref<1x128xi32, #tpu.memory_space<vmem>>
    %dma_wait3A_580 = tpu.memref_squeeze %dma_wait3A_579 : memref<1x128xi32, #tpu.memory_space<vmem>> -> memref<128xi32, #tpu.memory_space<vmem>>
    %dma_wait3A_581 = arith.constant 0 : i32
    %dma_wait3A_582 = tpu.memref_slice %arg3[%dma_wait3A_581] : memref<4001792xf32, #tpu.memory_space<hbm>> -> memref<4001792xf32, #tpu.memory_space<hbm>>
    tpu.wait_indirect_dma semaphore(%arg22 : memref<!tpu.dma_semaphore, #tpu.memory_space<semaphore_mem>>) src(%dma_wait3A_582 : memref<4001792xf32, #tpu.memory_space<hbm>>) dst(%dma_wait3A_577 : memref<128xf32, #tpu.memory_space<vmem>>)
    %dma_wait3A_583 = arith.constant 3 : i32
    %dma_wait3A_584 = arith.constant 2 : i32
    %dma_wait3A_585 = arith.constant 0 : i32
    %dma_wait3A_586 = tpu.memref_slice %arg16[%dma_wait3A_584, %dma_wait3A_585] : memref<6x512xf32, #tpu.memory_space<vmem>> -> memref<1x512xf32, #tpu.memory_space<vmem>>
    %dma_wait3A_587 = tpu.memref_squeeze %dma_wait3A_586 : memref<1x512xf32, #tpu.memory_space<vmem>> -> memref<512xf32, #tpu.memory_space<vmem>>
    %dma_wait3A_588 = arith.constant 384 : i32
    %dma_wait3A_589 = tpu.memref_slice %dma_wait3A_587[%dma_wait3A_588] : memref<512xf32, #tpu.memory_space<vmem>> -> memref<128xf32, #tpu.memory_space<vmem>>
    %dma_wait3A_590 = arith.constant 0 : i32
    %dma_wait3A_591 = tpu.memref_slice %arg14[%dma_wait3A_583, %dma_wait3A_590] : memref<4x128xi32, #tpu.memory_space<vmem>> -> memref<1x128xi32, #tpu.memory_space<vmem>>
    %dma_wait3A_592 = tpu.memref_squeeze %dma_wait3A_591 : memref<1x128xi32, #tpu.memory_space<vmem>> -> memref<128xi32, #tpu.memory_space<vmem>>
    %dma_wait3A_593 = arith.constant 0 : i32
    %dma_wait3A_594 = tpu.memref_slice %arg2[%dma_wait3A_593] : memref<4001792xf32, #tpu.memory_space<hbm>> -> memref<4001792xf32, #tpu.memory_space<hbm>>
    tpu.wait_indirect_dma semaphore(%arg21 : memref<!tpu.dma_semaphore, #tpu.memory_space<semaphore_mem>>) src(%dma_wait3A_594 : memref<4001792xf32, #tpu.memory_space<hbm>>) dst(%dma_wait3A_589 : memref<128xf32, #tpu.memory_space<vmem>>)
    %dma_wait3A_595 = arith.constant 3 : i32
    %dma_wait3A_596 = arith.constant 5 : i32
    %dma_wait3A_597 = arith.constant 0 : i32
    %dma_wait3A_598 = tpu.memref_slice %arg16[%dma_wait3A_596, %dma_wait3A_597] : memref<6x512xf32, #tpu.memory_space<vmem>> -> memref<1x512xf32, #tpu.memory_space<vmem>>
    %dma_wait3A_599 = tpu.memref_squeeze %dma_wait3A_598 : memref<1x512xf32, #tpu.memory_space<vmem>> -> memref<512xf32, #tpu.memory_space<vmem>>
    %dma_wait3A_600 = arith.constant 384 : i32
    %dma_wait3A_601 = tpu.memref_slice %dma_wait3A_599[%dma_wait3A_600] : memref<512xf32, #tpu.memory_space<vmem>> -> memref<128xf32, #tpu.memory_space<vmem>>
    %dma_wait3A_602 = arith.constant 0 : i32
    %dma_wait3A_603 = tpu.memref_slice %arg14[%dma_wait3A_595, %dma_wait3A_602] : memref<4x128xi32, #tpu.memory_space<vmem>> -> memref<1x128xi32, #tpu.memory_space<vmem>>
    %dma_wait3A_604 = tpu.memref_squeeze %dma_wait3A_603 : memref<1x128xi32, #tpu.memory_space<vmem>> -> memref<128xi32, #tpu.memory_space<vmem>>
    %dma_wait3A_605 = arith.constant 0 : i32
    %dma_wait3A_606 = tpu.memref_slice %arg3[%dma_wait3A_605] : memref<4001792xf32, #tpu.memory_space<hbm>> -> memref<4001792xf32, #tpu.memory_space<hbm>>
    tpu.wait_indirect_dma semaphore(%arg22 : memref<!tpu.dma_semaphore, #tpu.memory_space<semaphore_mem>>) src(%dma_wait3A_606 : memref<4001792xf32, #tpu.memory_space<hbm>>) dst(%dma_wait3A_601 : memref<128xf32, #tpu.memory_space<vmem>>)
    %scan3A_607 = arith.constant 0 : i32
    %scan3A_608 = arith.constant 0 : i32
    %scan3A_609 = arith.constant 32 : i32
    %scan3A_610 = arith.addi %scan3A_608, %scan3A_609 : i32
    %scan3A_611 = arith.constant 1 : i32
    scf.for %scan3A_625 = %scan3A_608 to %scan3A_610 step %scan3A_611  : i32 {
      %mul3A_626 = arith.constant 16 : i32
      %mul3A_627 = arith.muli %scan3A_625, %mul3A_626 : i32
      %get3A = arith.constant 0 : i32
      %get3A_628 = arith.index_cast %get3A : i32 to index
      %get3A_629 = arith.index_cast %mul3A_627 : i32 to index
      %get3A_630 = tpu.vector_load %arg16[%get3A_628, %get3A_629] {strides = array<i32>} : memref<6x512xf32, #tpu.memory_space<vmem>>, vector<16xf32>,
      %get3A_631 = arith.constant 0 : i32
      %get3A_632 = arith.index_cast %get3A_631 : i32 to index
      %get3A_633 = arith.index_cast %mul3A_627 : i32 to index
      %get3A_634 = tpu.vector_load %arg17[%get3A_632, %get3A_633] {strides = array<i32>} : memref<6x512xf32, #tpu.memory_space<vmem>>, vector<16xf32>,
      %add3A_635 = arith.addf %get3A_630, %get3A_634 : vector<16xf32>
      %swap3A = arith.constant 0 : i32
      %swap3A_636 = arith.index_cast %swap3A : i32 to index
      %swap3A_637 = arith.index_cast %mul3A_627 : i32 to index
      %swap3A_638 = tpu.vector_load %arg18[%swap3A_636, %swap3A_637] {strides = array<i32>} : memref<6x512xf32, #tpu.memory_space<vmem>>, vector<16xf32>,
      tpu.vector_store %arg18[%swap3A_636, %swap3A_637], %add3A_635 {strides = array<i32>} : memref<6x512xf32, #tpu.memory_space<vmem>>, vector<16xf32>,
      %get3A_639 = arith.constant 1 : i32
      %get3A_640 = arith.index_cast %get3A_639 : i32 to index
      %get3A_641 = arith.index_cast %mul3A_627 : i32 to index
      %get3A_642 = tpu.vector_load %arg16[%get3A_640, %get3A_641] {strides = array<i32>} : memref<6x512xf32, #tpu.memory_space<vmem>>, vector<16xf32>,
      %get3A_643 = arith.constant 1 : i32
      %get3A_644 = arith.index_cast %get3A_643 : i32 to index
      %get3A_645 = arith.index_cast %mul3A_627 : i32 to index
      %get3A_646 = tpu.vector_load %arg17[%get3A_644, %get3A_645] {strides = array<i32>} : memref<6x512xf32, #tpu.memory_space<vmem>>, vector<16xf32>,
      %add3A_647 = arith.addf %get3A_642, %get3A_646 : vector<16xf32>
      %swap3A_648 = arith.constant 1 : i32
      %swap3A_649 = arith.index_cast %swap3A_648 : i32 to index
      %swap3A_650 = arith.index_cast %mul3A_627 : i32 to index
      %swap3A_651 = tpu.vector_load %arg18[%swap3A_649, %swap3A_650] {strides = array<i32>} : memref<6x512xf32, #tpu.memory_space<vmem>>, vector<16xf32>,
      tpu.vector_store %arg18[%swap3A_649, %swap3A_650], %add3A_647 {strides = array<i32>} : memref<6x512xf32, #tpu.memory_space<vmem>>, vector<16xf32>,
      %get3A_652 = arith.constant 2 : i32
      %get3A_653 = arith.index_cast %get3A_652 : i32 to index
      %get3A_654 = arith.index_cast %mul3A_627 : i32 to index
      %get3A_655 = tpu.vector_load %arg16[%get3A_653, %get3A_654] {strides = array<i32>} : memref<6x512xf32, #tpu.memory_space<vmem>>, vector<16xf32>,
      %get3A_656 = arith.constant 2 : i32
      %get3A_657 = arith.index_cast %get3A_656 : i32 to index
      %get3A_658 = arith.index_cast %mul3A_627 : i32 to index
      %get3A_659 = tpu.vector_load %arg17[%get3A_657, %get3A_658] {strides = array<i32>} : memref<6x512xf32, #tpu.memory_space<vmem>>, vector<16xf32>,
      %add3A_660 = arith.addf %get3A_655, %get3A_659 : vector<16xf32>
      %swap3A_661 = arith.constant 2 : i32
      %swap3A_662 = arith.index_cast %swap3A_661 : i32 to index
      %swap3A_663 = arith.index_cast %mul3A_627 : i32 to index
      %swap3A_664 = tpu.vector_load %arg18[%swap3A_662, %swap3A_663] {strides = array<i32>} : memref<6x512xf32, #tpu.memory_space<vmem>>, vector<16xf32>,
      tpu.vector_store %arg18[%swap3A_662, %swap3A_663], %add3A_660 {strides = array<i32>} : memref<6x512xf32, #tpu.memory_space<vmem>>, vector<16xf32>,
      %get3A_665 = arith.constant 3 : i32
      %get3A_666 = arith.index_cast %get3A_665 : i32 to index
      %get3A_667 = arith.index_cast %mul3A_627 : i32 to index
      %get3A_668 = tpu.vector_load %arg16[%get3A_666, %get3A_667] {strides = array<i32>} : memref<6x512xf32, #tpu.memory_space<vmem>>, vector<16xf32>,
      %get3A_669 = arith.constant 3 : i32
      %get3A_670 = arith.index_cast %get3A_669 : i32 to index
      %get3A_671 = arith.index_cast %mul3A_627 : i32 to index
      %get3A_672 = tpu.vector_load %arg17[%get3A_670, %get3A_671] {strides = array<i32>} : memref<6x512xf32, #tpu.memory_space<vmem>>, vector<16xf32>,
      %add3A_673 = arith.addf %get3A_668, %get3A_672 : vector<16xf32>
      %swap3A_674 = arith.constant 3 : i32
      %swap3A_675 = arith.index_cast %swap3A_674 : i32 to index
      %swap3A_676 = arith.index_cast %mul3A_627 : i32 to index
      %swap3A_677 = tpu.vector_load %arg18[%swap3A_675, %swap3A_676] {strides = array<i32>} : memref<6x512xf32, #tpu.memory_space<vmem>>, vector<16xf32>,
      tpu.vector_store %arg18[%swap3A_675, %swap3A_676], %add3A_673 {strides = array<i32>} : memref<6x512xf32, #tpu.memory_space<vmem>>, vector<16xf32>,
      %get3A_678 = arith.constant 4 : i32
      %get3A_679 = arith.index_cast %get3A_678 : i32 to index
      %get3A_680 = arith.index_cast %mul3A_627 : i32 to index
      %get3A_681 = tpu.vector_load %arg16[%get3A_679, %get3A_680] {strides = array<i32>} : memref<6x512xf32, #tpu.memory_space<vmem>>, vector<16xf32>,
      %get3A_682 = arith.constant 4 : i32
      %get3A_683 = arith.index_cast %get3A_682 : i32 to index
      %get3A_684 = arith.index_cast %mul3A_627 : i32 to index
      %get3A_685 = tpu.vector_load %arg17[%get3A_683, %get3A_684] {strides = array<i32>} : memref<6x512xf32, #tpu.memory_space<vmem>>, vector<16xf32>,
      %add3A_686 = arith.addf %get3A_681, %get3A_685 : vector<16xf32>
      %swap3A_687 = arith.constant 4 : i32
      %swap3A_688 = arith.index_cast %swap3A_687 : i32 to index
      %swap3A_689 = arith.index_cast %mul3A_627 : i32 to index
      %swap3A_690 = tpu.vector_load %arg18[%swap3A_688, %swap3A_689] {strides = array<i32>} : memref<6x512xf32, #tpu.memory_space<vmem>>, vector<16xf32>,
      tpu.vector_store %arg18[%swap3A_688, %swap3A_689], %add3A_686 {strides = array<i32>} : memref<6x512xf32, #tpu.memory_space<vmem>>, vector<16xf32>,
      %get3A_691 = arith.constant 5 : i32
      %get3A_692 = arith.index_cast %get3A_691 : i32 to index
      %get3A_693 = arith.index_cast %mul3A_627 : i32 to index
      %get3A_694 = tpu.vector_load %arg16[%get3A_692, %get3A_693] {strides = array<i32>} : memref<6x512xf32, #tpu.memory_space<vmem>>, vector<16xf32>,
      %get3A_695 = arith.constant 5 : i32
      %get3A_696 = arith.index_cast %get3A_695 : i32 to index
      %get3A_697 = arith.index_cast %mul3A_627 : i32 to index
      %get3A_698 = tpu.vector_load %arg17[%get3A_696, %get3A_697] {strides = array<i32>} : memref<6x512xf32, #tpu.memory_space<vmem>>, vector<16xf32>,
      %add3A_699 = arith.addf %get3A_694, %get3A_698 : vector<16xf32>
      %swap3A_700 = arith.constant 5 : i32
      %swap3A_701 = arith.index_cast %swap3A_700 : i32 to index
      %swap3A_702 = arith.index_cast %mul3A_627 : i32 to index
      %swap3A_703 = tpu.vector_load %arg18[%swap3A_701, %swap3A_702] {strides = array<i32>} : memref<6x512xf32, #tpu.memory_space<vmem>>, vector<16xf32>,
      tpu.vector_store %arg18[%swap3A_701, %swap3A_702], %add3A_699 {strides = array<i32>} : memref<6x512xf32, #tpu.memory_space<vmem>>, vector<16xf32>,
    }
    %scan3A_612 = arith.constant 32 : i32
    %run_scoped3A_613 = arith.constant 0 : i32
    %run_scoped3A_614 = arith.constant 0 : i32
    "tpu.region"() ({
      %run_scoped3A_625 = tpu.sem_alloc : memref<!tpu.dma_semaphore, #tpu.memory_space<semaphore_mem>>
      %dma_start3A_626 = arith.constant 0 : i32
      %dma_start3A_627 = tpu.memref_slice %arg18[%run_scoped3A_613, %dma_start3A_626] : memref<6x512xf32, #tpu.memory_space<vmem>> -> memref<1x512xf32, #tpu.memory_space<vmem>>
      %dma_start3A_628 = tpu.memref_squeeze %dma_start3A_627 : memref<1x512xf32, #tpu.memory_space<vmem>> -> memref<512xf32, #tpu.memory_space<vmem>>
      %dma_start3A_629 = arith.constant 0 : i32
      %dma_start3A_630 = tpu.memref_slice %arg9[%run_scoped3A_614, %dma_start3A_629] : memref<6x16384xf32, #tpu.memory_space<hbm>> -> memref<1x16384xf32, #tpu.memory_space<hbm>>
      %dma_start3A_631 = tpu.memref_squeeze %dma_start3A_630 : memref<1x16384xf32, #tpu.memory_space<hbm>> -> memref<16384xf32, #tpu.memory_space<hbm>>
      %dma_start3A_632 = tpu.memref_slice %dma_start3A_631[%mul3A_2] : memref<16384xf32, #tpu.memory_space<hbm>> -> memref<512xf32, #tpu.memory_space<hbm>>
      %dma_start3A_633 = arith.constant 0 : i32
      %dma_start3A_634 = tpu.memref_slice %arg9[%run_scoped3A_614, %dma_start3A_633] : memref<6x16384xf32, #tpu.memory_space<hbm>> -> memref<1x16384xf32, #tpu.memory_space<hbm>>
      %dma_start3A_635 = tpu.memref_squeeze %dma_start3A_634 : memref<1x16384xf32, #tpu.memory_space<hbm>> -> memref<16384xf32, #tpu.memory_space<hbm>>
      %dma_start3A_636 = tpu.memref_slice %dma_start3A_635[%mul3A_2] : memref<16384xf32, #tpu.memory_space<hbm>> -> memref<512xf32, #tpu.memory_space<hbm>>
      %dma_start3A_637 = arith.constant 0 : i32
      %dma_start3A_638 = tpu.memref_slice %arg18[%run_scoped3A_613, %dma_start3A_637] : memref<6x512xf32, #tpu.memory_space<vmem>> -> memref<1x512xf32, #tpu.memory_space<vmem>>
      %dma_start3A_639 = tpu.memref_squeeze %dma_start3A_638 : memref<1x512xf32, #tpu.memory_space<vmem>> -> memref<512xf32, #tpu.memory_space<vmem>>
      tpu.enqueue_dma source(%dma_start3A_639 : memref<512xf32, #tpu.memory_space<vmem>>) target(%dma_start3A_636 : memref<512xf32, #tpu.memory_space<hbm>>) target_semaphore(%run_scoped3A_625 : memref<!tpu.dma_semaphore, #tpu.memory_space<semaphore_mem>>)
      %dma_wait3A_640 = arith.constant 0 : i32
      %dma_wait3A_641 = tpu.memref_slice %arg18[%run_scoped3A_613, %dma_wait3A_640] : memref<6x512xf32, #tpu.memory_space<vmem>> -> memref<1x512xf32, #tpu.memory_space<vmem>>
      %dma_wait3A_642 = tpu.memref_squeeze %dma_wait3A_641 : memref<1x512xf32, #tpu.memory_space<vmem>> -> memref<512xf32, #tpu.memory_space<vmem>>
      %dma_wait3A_643 = arith.constant 0 : i32
      %dma_wait3A_644 = tpu.memref_slice %arg9[%run_scoped3A_614, %dma_wait3A_643] : memref<6x16384xf32, #tpu.memory_space<hbm>> -> memref<1x16384xf32, #tpu.memory_space<hbm>>
      %dma_wait3A_645 = tpu.memref_squeeze %dma_wait3A_644 : memref<1x16384xf32, #tpu.memory_space<hbm>> -> memref<16384xf32, #tpu.memory_space<hbm>>
      %dma_wait3A_646 = tpu.memref_slice %dma_wait3A_645[%mul3A_2] : memref<16384xf32, #tpu.memory_space<hbm>> -> memref<512xf32, #tpu.memory_space<hbm>>
      %dma_wait3A_647 = arith.constant 0 : i32
      %dma_wait3A_648 = tpu.memref_slice %arg9[%run_scoped3A_614, %dma_wait3A_647] : memref<6x16384xf32, #tpu.memory_space<hbm>> -> memref<1x16384xf32, #tpu.memory_space<hbm>>
      %dma_wait3A_649 = tpu.memref_squeeze %dma_wait3A_648 : memref<1x16384xf32, #tpu.memory_space<hbm>> -> memref<16384xf32, #tpu.memory_space<hbm>>
      %dma_wait3A_650 = tpu.memref_slice %dma_wait3A_649[%mul3A_2] : memref<16384xf32, #tpu.memory_space<hbm>> -> memref<512xf32, #tpu.memory_space<hbm>>
      %dma_wait3A_651 = arith.constant 0 : i32
      %dma_wait3A_652 = tpu.memref_slice %arg18[%run_scoped3A_613, %dma_wait3A_651] : memref<6x512xf32, #tpu.memory_space<vmem>> -> memref<1x512xf32, #tpu.memory_space<vmem>>
      %dma_wait3A_653 = tpu.memref_squeeze %dma_wait3A_652 : memref<1x512xf32, #tpu.memory_space<vmem>> -> memref<512xf32, #tpu.memory_space<vmem>>
      tpu.wait_dma2 semaphore(%run_scoped3A_625 : memref<!tpu.dma_semaphore, #tpu.memory_space<semaphore_mem>>) src(%dma_wait3A_653 : memref<512xf32, #tpu.memory_space<vmem>>) dst(%dma_wait3A_650 : memref<512xf32, #tpu.memory_space<hbm>>)
      tpu.yield
    }) : () -> ()
    %run_scoped3A_615 = arith.constant 1 : i32
    %run_scoped3A_616 = arith.constant 1 : i32
    "tpu.region"() ({
      %run_scoped3A_625 = tpu.sem_alloc : memref<!tpu.dma_semaphore, #tpu.memory_space<semaphore_mem>>
      %dma_start3A_626 = arith.constant 0 : i32
      %dma_start3A_627 = tpu.memref_slice %arg18[%run_scoped3A_615, %dma_start3A_626] : memref<6x512xf32, #tpu.memory_space<vmem>> -> memref<1x512xf32, #tpu.memory_space<vmem>>
      %dma_start3A_628 = tpu.memref_squeeze %dma_start3A_627 : memref<1x512xf32, #tpu.memory_space<vmem>> -> memref<512xf32, #tpu.memory_space<vmem>>
      %dma_start3A_629 = arith.constant 0 : i32
      %dma_start3A_630 = tpu.memref_slice %arg9[%run_scoped3A_616, %dma_start3A_629] : memref<6x16384xf32, #tpu.memory_space<hbm>> -> memref<1x16384xf32, #tpu.memory_space<hbm>>
      %dma_start3A_631 = tpu.memref_squeeze %dma_start3A_630 : memref<1x16384xf32, #tpu.memory_space<hbm>> -> memref<16384xf32, #tpu.memory_space<hbm>>
      %dma_start3A_632 = tpu.memref_slice %dma_start3A_631[%mul3A_2] : memref<16384xf32, #tpu.memory_space<hbm>> -> memref<512xf32, #tpu.memory_space<hbm>>
      %dma_start3A_633 = arith.constant 0 : i32
      %dma_start3A_634 = tpu.memref_slice %arg9[%run_scoped3A_616, %dma_start3A_633] : memref<6x16384xf32, #tpu.memory_space<hbm>> -> memref<1x16384xf32, #tpu.memory_space<hbm>>
      %dma_start3A_635 = tpu.memref_squeeze %dma_start3A_634 : memref<1x16384xf32, #tpu.memory_space<hbm>> -> memref<16384xf32, #tpu.memory_space<hbm>>
      %dma_start3A_636 = tpu.memref_slice %dma_start3A_635[%mul3A_2] : memref<16384xf32, #tpu.memory_space<hbm>> -> memref<512xf32, #tpu.memory_space<hbm>>
      %dma_start3A_637 = arith.constant 0 : i32
      %dma_start3A_638 = tpu.memref_slice %arg18[%run_scoped3A_615, %dma_start3A_637] : memref<6x512xf32, #tpu.memory_space<vmem>> -> memref<1x512xf32, #tpu.memory_space<vmem>>
      %dma_start3A_639 = tpu.memref_squeeze %dma_start3A_638 : memref<1x512xf32, #tpu.memory_space<vmem>> -> memref<512xf32, #tpu.memory_space<vmem>>
      tpu.enqueue_dma source(%dma_start3A_639 : memref<512xf32, #tpu.memory_space<vmem>>) target(%dma_start3A_636 : memref<512xf32, #tpu.memory_space<hbm>>) target_semaphore(%run_scoped3A_625 : memref<!tpu.dma_semaphore, #tpu.memory_space<semaphore_mem>>)
      %dma_wait3A_640 = arith.constant 0 : i32
      %dma_wait3A_641 = tpu.memref_slice %arg18[%run_scoped3A_615, %dma_wait3A_640] : memref<6x512xf32, #tpu.memory_space<vmem>> -> memref<1x512xf32, #tpu.memory_space<vmem>>
      %dma_wait3A_642 = tpu.memref_squeeze %dma_wait3A_641 : memref<1x512xf32, #tpu.memory_space<vmem>> -> memref<512xf32, #tpu.memory_space<vmem>>
      %dma_wait3A_643 = arith.constant 0 : i32
      %dma_wait3A_644 = tpu.memref_slice %arg9[%run_scoped3A_616, %dma_wait3A_643] : memref<6x16384xf32, #tpu.memory_space<hbm>> -> memref<1x16384xf32, #tpu.memory_space<hbm>>
      %dma_wait3A_645 = tpu.memref_squeeze %dma_wait3A_644 : memref<1x16384xf32, #tpu.memory_space<hbm>> -> memref<16384xf32, #tpu.memory_space<hbm>>
      %dma_wait3A_646 = tpu.memref_slice %dma_wait3A_645[%mul3A_2] : memref<16384xf32, #tpu.memory_space<hbm>> -> memref<512xf32, #tpu.memory_space<hbm>>
      %dma_wait3A_647 = arith.constant 0 : i32
      %dma_wait3A_648 = tpu.memref_slice %arg9[%run_scoped3A_616, %dma_wait3A_647] : memref<6x16384xf32, #tpu.memory_space<hbm>> -> memref<1x16384xf32, #tpu.memory_space<hbm>>
      %dma_wait3A_649 = tpu.memref_squeeze %dma_wait3A_648 : memref<1x16384xf32, #tpu.memory_space<hbm>> -> memref<16384xf32, #tpu.memory_space<hbm>>
      %dma_wait3A_650 = tpu.memref_slice %dma_wait3A_649[%mul3A_2] : memref<16384xf32, #tpu.memory_space<hbm>> -> memref<512xf32, #tpu.memory_space<hbm>>
      %dma_wait3A_651 = arith.constant 0 : i32
      %dma_wait3A_652 = tpu.memref_slice %arg18[%run_scoped3A_615, %dma_wait3A_651] : memref<6x512xf32, #tpu.memory_space<vmem>> -> memref<1x512xf32, #tpu.memory_space<vmem>>
      %dma_wait3A_653 = tpu.memref_squeeze %dma_wait3A_652 : memref<1x512xf32, #tpu.memory_space<vmem>> -> memref<512xf32, #tpu.memory_space<vmem>>
      tpu.wait_dma2 semaphore(%run_scoped3A_625 : memref<!tpu.dma_semaphore, #tpu.memory_space<semaphore_mem>>) src(%dma_wait3A_653 : memref<512xf32, #tpu.memory_space<vmem>>) dst(%dma_wait3A_650 : memref<512xf32, #tpu.memory_space<hbm>>)
      tpu.yield
    }) : () -> ()
    %run_scoped3A_617 = arith.constant 2 : i32
    %run_scoped3A_618 = arith.constant 2 : i32
    "tpu.region"() ({
      %run_scoped3A_625 = tpu.sem_alloc : memref<!tpu.dma_semaphore, #tpu.memory_space<semaphore_mem>>
      %dma_start3A_626 = arith.constant 0 : i32
      %dma_start3A_627 = tpu.memref_slice %arg18[%run_scoped3A_617, %dma_start3A_626] : memref<6x512xf32, #tpu.memory_space<vmem>> -> memref<1x512xf32, #tpu.memory_space<vmem>>
      %dma_start3A_628 = tpu.memref_squeeze %dma_start3A_627 : memref<1x512xf32, #tpu.memory_space<vmem>> -> memref<512xf32, #tpu.memory_space<vmem>>
      %dma_start3A_629 = arith.constant 0 : i32
      %dma_start3A_630 = tpu.memref_slice %arg9[%run_scoped3A_618, %dma_start3A_629] : memref<6x16384xf32, #tpu.memory_space<hbm>> -> memref<1x16384xf32, #tpu.memory_space<hbm>>
      %dma_start3A_631 = tpu.memref_squeeze %dma_start3A_630 : memref<1x16384xf32, #tpu.memory_space<hbm>> -> memref<16384xf32, #tpu.memory_space<hbm>>
      %dma_start3A_632 = tpu.memref_slice %dma_start3A_631[%mul3A_2] : memref<16384xf32, #tpu.memory_space<hbm>> -> memref<512xf32, #tpu.memory_space<hbm>>
      %dma_start3A_633 = arith.constant 0 : i32
      %dma_start3A_634 = tpu.memref_slice %arg9[%run_scoped3A_618, %dma_start3A_633] : memref<6x16384xf32, #tpu.memory_space<hbm>> -> memref<1x16384xf32, #tpu.memory_space<hbm>>
      %dma_start3A_635 = tpu.memref_squeeze %dma_start3A_634 : memref<1x16384xf32, #tpu.memory_space<hbm>> -> memref<16384xf32, #tpu.memory_space<hbm>>
      %dma_start3A_636 = tpu.memref_slice %dma_start3A_635[%mul3A_2] : memref<16384xf32, #tpu.memory_space<hbm>> -> memref<512xf32, #tpu.memory_space<hbm>>
      %dma_start3A_637 = arith.constant 0 : i32
      %dma_start3A_638 = tpu.memref_slice %arg18[%run_scoped3A_617, %dma_start3A_637] : memref<6x512xf32, #tpu.memory_space<vmem>> -> memref<1x512xf32, #tpu.memory_space<vmem>>
      %dma_start3A_639 = tpu.memref_squeeze %dma_start3A_638 : memref<1x512xf32, #tpu.memory_space<vmem>> -> memref<512xf32, #tpu.memory_space<vmem>>
      tpu.enqueue_dma source(%dma_start3A_639 : memref<512xf32, #tpu.memory_space<vmem>>) target(%dma_start3A_636 : memref<512xf32, #tpu.memory_space<hbm>>) target_semaphore(%run_scoped3A_625 : memref<!tpu.dma_semaphore, #tpu.memory_space<semaphore_mem>>)
      %dma_wait3A_640 = arith.constant 0 : i32
      %dma_wait3A_641 = tpu.memref_slice %arg18[%run_scoped3A_617, %dma_wait3A_640] : memref<6x512xf32, #tpu.memory_space<vmem>> -> memref<1x512xf32, #tpu.memory_space<vmem>>
      %dma_wait3A_642 = tpu.memref_squeeze %dma_wait3A_641 : memref<1x512xf32, #tpu.memory_space<vmem>> -> memref<512xf32, #tpu.memory_space<vmem>>
      %dma_wait3A_643 = arith.constant 0 : i32
      %dma_wait3A_644 = tpu.memref_slice %arg9[%run_scoped3A_618, %dma_wait3A_643] : memref<6x16384xf32, #tpu.memory_space<hbm>> -> memref<1x16384xf32, #tpu.memory_space<hbm>>
      %dma_wait3A_645 = tpu.memref_squeeze %dma_wait3A_644 : memref<1x16384xf32, #tpu.memory_space<hbm>> -> memref<16384xf32, #tpu.memory_space<hbm>>
      %dma_wait3A_646 = tpu.memref_slice %dma_wait3A_645[%mul3A_2] : memref<16384xf32, #tpu.memory_space<hbm>> -> memref<512xf32, #tpu.memory_space<hbm>>
      %dma_wait3A_647 = arith.constant 0 : i32
      %dma_wait3A_648 = tpu.memref_slice %arg9[%run_scoped3A_618, %dma_wait3A_647] : memref<6x16384xf32, #tpu.memory_space<hbm>> -> memref<1x16384xf32, #tpu.memory_space<hbm>>
      %dma_wait3A_649 = tpu.memref_squeeze %dma_wait3A_648 : memref<1x16384xf32, #tpu.memory_space<hbm>> -> memref<16384xf32, #tpu.memory_space<hbm>>
      %dma_wait3A_650 = tpu.memref_slice %dma_wait3A_649[%mul3A_2] : memref<16384xf32, #tpu.memory_space<hbm>> -> memref<512xf32, #tpu.memory_space<hbm>>
      %dma_wait3A_651 = arith.constant 0 : i32
      %dma_wait3A_652 = tpu.memref_slice %arg18[%run_scoped3A_617, %dma_wait3A_651] : memref<6x512xf32, #tpu.memory_space<vmem>> -> memref<1x512xf32, #tpu.memory_space<vmem>>
      %dma_wait3A_653 = tpu.memref_squeeze %dma_wait3A_652 : memref<1x512xf32, #tpu.memory_space<vmem>> -> memref<512xf32, #tpu.memory_space<vmem>>
      tpu.wait_dma2 semaphore(%run_scoped3A_625 : memref<!tpu.dma_semaphore, #tpu.memory_space<semaphore_mem>>) src(%dma_wait3A_653 : memref<512xf32, #tpu.memory_space<vmem>>) dst(%dma_wait3A_650 : memref<512xf32, #tpu.memory_space<hbm>>)
      tpu.yield
    }) : () -> ()
    %run_scoped3A_619 = arith.constant 3 : i32
    %run_scoped3A_620 = arith.constant 3 : i32
    "tpu.region"() ({
      %run_scoped3A_625 = tpu.sem_alloc : memref<!tpu.dma_semaphore, #tpu.memory_space<semaphore_mem>>
      %dma_start3A_626 = arith.constant 0 : i32
      %dma_start3A_627 = tpu.memref_slice %arg18[%run_scoped3A_619, %dma_start3A_626] : memref<6x512xf32, #tpu.memory_space<vmem>> -> memref<1x512xf32, #tpu.memory_space<vmem>>
      %dma_start3A_628 = tpu.memref_squeeze %dma_start3A_627 : memref<1x512xf32, #tpu.memory_space<vmem>> -> memref<512xf32, #tpu.memory_space<vmem>>
      %dma_start3A_629 = arith.constant 0 : i32
      %dma_start3A_630 = tpu.memref_slice %arg9[%run_scoped3A_620, %dma_start3A_629] : memref<6x16384xf32, #tpu.memory_space<hbm>> -> memref<1x16384xf32, #tpu.memory_space<hbm>>
      %dma_start3A_631 = tpu.memref_squeeze %dma_start3A_630 : memref<1x16384xf32, #tpu.memory_space<hbm>> -> memref<16384xf32, #tpu.memory_space<hbm>>
      %dma_start3A_632 = tpu.memref_slice %dma_start3A_631[%mul3A_2] : memref<16384xf32, #tpu.memory_space<hbm>> -> memref<512xf32, #tpu.memory_space<hbm>>
      %dma_start3A_633 = arith.constant 0 : i32
      %dma_start3A_634 = tpu.memref_slice %arg9[%run_scoped3A_620, %dma_start3A_633] : memref<6x16384xf32, #tpu.memory_space<hbm>> -> memref<1x16384xf32, #tpu.memory_space<hbm>>
      %dma_start3A_635 = tpu.memref_squeeze %dma_start3A_634 : memref<1x16384xf32, #tpu.memory_space<hbm>> -> memref<16384xf32, #tpu.memory_space<hbm>>
      %dma_start3A_636 = tpu.memref_slice %dma_start3A_635[%mul3A_2] : memref<16384xf32, #tpu.memory_space<hbm>> -> memref<512xf32, #tpu.memory_space<hbm>>
      %dma_start3A_637 = arith.constant 0 : i32
      %dma_start3A_638 = tpu.memref_slice %arg18[%run_scoped3A_619, %dma_start3A_637] : memref<6x512xf32, #tpu.memory_space<vmem>> -> memref<1x512xf32, #tpu.memory_space<vmem>>
      %dma_start3A_639 = tpu.memref_squeeze %dma_start3A_638 : memref<1x512xf32, #tpu.memory_space<vmem>> -> memref<512xf32, #tpu.memory_space<vmem>>
      tpu.enqueue_dma source(%dma_start3A_639 : memref<512xf32, #tpu.memory_space<vmem>>) target(%dma_start3A_636 : memref<512xf32, #tpu.memory_space<hbm>>) target_semaphore(%run_scoped3A_625 : memref<!tpu.dma_semaphore, #tpu.memory_space<semaphore_mem>>)
      %dma_wait3A_640 = arith.constant 0 : i32
      %dma_wait3A_641 = tpu.memref_slice %arg18[%run_scoped3A_619, %dma_wait3A_640] : memref<6x512xf32, #tpu.memory_space<vmem>> -> memref<1x512xf32, #tpu.memory_space<vmem>>
      %dma_wait3A_642 = tpu.memref_squeeze %dma_wait3A_641 : memref<1x512xf32, #tpu.memory_space<vmem>> -> memref<512xf32, #tpu.memory_space<vmem>>
      %dma_wait3A_643 = arith.constant 0 : i32
      %dma_wait3A_644 = tpu.memref_slice %arg9[%run_scoped3A_620, %dma_wait3A_643] : memref<6x16384xf32, #tpu.memory_space<hbm>> -> memref<1x16384xf32, #tpu.memory_space<hbm>>
      %dma_wait3A_645 = tpu.memref_squeeze %dma_wait3A_644 : memref<1x16384xf32, #tpu.memory_space<hbm>> -> memref<16384xf32, #tpu.memory_space<hbm>>
      %dma_wait3A_646 = tpu.memref_slice %dma_wait3A_645[%mul3A_2] : memref<16384xf32, #tpu.memory_space<hbm>> -> memref<512xf32, #tpu.memory_space<hbm>>
      %dma_wait3A_647 = arith.constant 0 : i32
      %dma_wait3A_648 = tpu.memref_slice %arg9[%run_scoped3A_620, %dma_wait3A_647] : memref<6x16384xf32, #tpu.memory_space<hbm>> -> memref<1x16384xf32, #tpu.memory_space<hbm>>
      %dma_wait3A_649 = tpu.memref_squeeze %dma_wait3A_648 : memref<1x16384xf32, #tpu.memory_space<hbm>> -> memref<16384xf32, #tpu.memory_space<hbm>>
      %dma_wait3A_650 = tpu.memref_slice %dma_wait3A_649[%mul3A_2] : memref<16384xf32, #tpu.memory_space<hbm>> -> memref<512xf32, #tpu.memory_space<hbm>>
      %dma_wait3A_651 = arith.constant 0 : i32
      %dma_wait3A_652 = tpu.memref_slice %arg18[%run_scoped3A_619, %dma_wait3A_651] : memref<6x512xf32, #tpu.memory_space<vmem>> -> memref<1x512xf32, #tpu.memory_space<vmem>>
      %dma_wait3A_653 = tpu.memref_squeeze %dma_wait3A_652 : memref<1x512xf32, #tpu.memory_space<vmem>> -> memref<512xf32, #tpu.memory_space<vmem>>
      tpu.wait_dma2 semaphore(%run_scoped3A_625 : memref<!tpu.dma_semaphore, #tpu.memory_space<semaphore_mem>>) src(%dma_wait3A_653 : memref<512xf32, #tpu.memory_space<vmem>>) dst(%dma_wait3A_650 : memref<512xf32, #tpu.memory_space<hbm>>)
      tpu.yield
    }) : () -> ()
    %run_scoped3A_621 = arith.constant 4 : i32
    %run_scoped3A_622 = arith.constant 4 : i32
    "tpu.region"() ({
      %run_scoped3A_625 = tpu.sem_alloc : memref<!tpu.dma_semaphore, #tpu.memory_space<semaphore_mem>>
      %dma_start3A_626 = arith.constant 0 : i32
      %dma_start3A_627 = tpu.memref_slice %arg18[%run_scoped3A_621, %dma_start3A_626] : memref<6x512xf32, #tpu.memory_space<vmem>> -> memref<1x512xf32, #tpu.memory_space<vmem>>
      %dma_start3A_628 = tpu.memref_squeeze %dma_start3A_627 : memref<1x512xf32, #tpu.memory_space<vmem>> -> memref<512xf32, #tpu.memory_space<vmem>>
      %dma_start3A_629 = arith.constant 0 : i32
      %dma_start3A_630 = tpu.memref_slice %arg9[%run_scoped3A_622, %dma_start3A_629] : memref<6x16384xf32, #tpu.memory_space<hbm>> -> memref<1x16384xf32, #tpu.memory_space<hbm>>
      %dma_start3A_631 = tpu.memref_squeeze %dma_start3A_630 : memref<1x16384xf32, #tpu.memory_space<hbm>> -> memref<16384xf32, #tpu.memory_space<hbm>>
      %dma_start3A_632 = tpu.memref_slice %dma_start3A_631[%mul3A_2] : memref<16384xf32, #tpu.memory_space<hbm>> -> memref<512xf32, #tpu.memory_space<hbm>>
      %dma_start3A_633 = arith.constant 0 : i32
      %dma_start3A_634 = tpu.memref_slice %arg9[%run_scoped3A_622, %dma_start3A_633] : memref<6x16384xf32, #tpu.memory_space<hbm>> -> memref<1x16384xf32, #tpu.memory_space<hbm>>
      %dma_start3A_635 = tpu.memref_squeeze %dma_start3A_634 : memref<1x16384xf32, #tpu.memory_space<hbm>> -> memref<16384xf32, #tpu.memory_space<hbm>>
      %dma_start3A_636 = tpu.memref_slice %dma_start3A_635[%mul3A_2] : memref<16384xf32, #tpu.memory_space<hbm>> -> memref<512xf32, #tpu.memory_space<hbm>>
      %dma_start3A_637 = arith.constant 0 : i32
      %dma_start3A_638 = tpu.memref_slice %arg18[%run_scoped3A_621, %dma_start3A_637] : memref<6x512xf32, #tpu.memory_space<vmem>> -> memref<1x512xf32, #tpu.memory_space<vmem>>
      %dma_start3A_639 = tpu.memref_squeeze %dma_start3A_638 : memref<1x512xf32, #tpu.memory_space<vmem>> -> memref<512xf32, #tpu.memory_space<vmem>>
      tpu.enqueue_dma source(%dma_start3A_639 : memref<512xf32, #tpu.memory_space<vmem>>) target(%dma_start3A_636 : memref<512xf32, #tpu.memory_space<hbm>>) target_semaphore(%run_scoped3A_625 : memref<!tpu.dma_semaphore, #tpu.memory_space<semaphore_mem>>)
      %dma_wait3A_640 = arith.constant 0 : i32
      %dma_wait3A_641 = tpu.memref_slice %arg18[%run_scoped3A_621, %dma_wait3A_640] : memref<6x512xf32, #tpu.memory_space<vmem>> -> memref<1x512xf32, #tpu.memory_space<vmem>>
      %dma_wait3A_642 = tpu.memref_squeeze %dma_wait3A_641 : memref<1x512xf32, #tpu.memory_space<vmem>> -> memref<512xf32, #tpu.memory_space<vmem>>
      %dma_wait3A_643 = arith.constant 0 : i32
      %dma_wait3A_644 = tpu.memref_slice %arg9[%run_scoped3A_622, %dma_wait3A_643] : memref<6x16384xf32, #tpu.memory_space<hbm>> -> memref<1x16384xf32, #tpu.memory_space<hbm>>
      %dma_wait3A_645 = tpu.memref_squeeze %dma_wait3A_644 : memref<1x16384xf32, #tpu.memory_space<hbm>> -> memref<16384xf32, #tpu.memory_space<hbm>>
      %dma_wait3A_646 = tpu.memref_slice %dma_wait3A_645[%mul3A_2] : memref<16384xf32, #tpu.memory_space<hbm>> -> memref<512xf32, #tpu.memory_space<hbm>>
      %dma_wait3A_647 = arith.constant 0 : i32
      %dma_wait3A_648 = tpu.memref_slice %arg9[%run_scoped3A_622, %dma_wait3A_647] : memref<6x16384xf32, #tpu.memory_space<hbm>> -> memref<1x16384xf32, #tpu.memory_space<hbm>>
      %dma_wait3A_649 = tpu.memref_squeeze %dma_wait3A_648 : memref<1x16384xf32, #tpu.memory_space<hbm>> -> memref<16384xf32, #tpu.memory_space<hbm>>
      %dma_wait3A_650 = tpu.memref_slice %dma_wait3A_649[%mul3A_2] : memref<16384xf32, #tpu.memory_space<hbm>> -> memref<512xf32, #tpu.memory_space<hbm>>
      %dma_wait3A_651 = arith.constant 0 : i32
      %dma_wait3A_652 = tpu.memref_slice %arg18[%run_scoped3A_621, %dma_wait3A_651] : memref<6x512xf32, #tpu.memory_space<vmem>> -> memref<1x512xf32, #tpu.memory_space<vmem>>
      %dma_wait3A_653 = tpu.memref_squeeze %dma_wait3A_652 : memref<1x512xf32, #tpu.memory_space<vmem>> -> memref<512xf32, #tpu.memory_space<vmem>>
      tpu.wait_dma2 semaphore(%run_scoped3A_625 : memref<!tpu.dma_semaphore, #tpu.memory_space<semaphore_mem>>) src(%dma_wait3A_653 : memref<512xf32, #tpu.memory_space<vmem>>) dst(%dma_wait3A_650 : memref<512xf32, #tpu.memory_space<hbm>>)
      tpu.yield
    }) : () -> ()
    %run_scoped3A_623 = arith.constant 5 : i32
    %run_scoped3A_624 = arith.constant 5 : i32
    "tpu.region"() ({
      %run_scoped3A_625 = tpu.sem_alloc : memref<!tpu.dma_semaphore, #tpu.memory_space<semaphore_mem>>
      %dma_start3A_626 = arith.constant 0 : i32
      %dma_start3A_627 = tpu.memref_slice %arg18[%run_scoped3A_623, %dma_start3A_626] : memref<6x512xf32, #tpu.memory_space<vmem>> -> memref<1x512xf32, #tpu.memory_space<vmem>>
      %dma_start3A_628 = tpu.memref_squeeze %dma_start3A_627 : memref<1x512xf32, #tpu.memory_space<vmem>> -> memref<512xf32, #tpu.memory_space<vmem>>
      %dma_start3A_629 = arith.constant 0 : i32
      %dma_start3A_630 = tpu.memref_slice %arg9[%run_scoped3A_624, %dma_start3A_629] : memref<6x16384xf32, #tpu.memory_space<hbm>> -> memref<1x16384xf32, #tpu.memory_space<hbm>>
      %dma_start3A_631 = tpu.memref_squeeze %dma_start3A_630 : memref<1x16384xf32, #tpu.memory_space<hbm>> -> memref<16384xf32, #tpu.memory_space<hbm>>
      %dma_start3A_632 = tpu.memref_slice %dma_start3A_631[%mul3A_2] : memref<16384xf32, #tpu.memory_space<hbm>> -> memref<512xf32, #tpu.memory_space<hbm>>
      %dma_start3A_633 = arith.constant 0 : i32
      %dma_start3A_634 = tpu.memref_slice %arg9[%run_scoped3A_624, %dma_start3A_633] : memref<6x16384xf32, #tpu.memory_space<hbm>> -> memref<1x16384xf32, #tpu.memory_space<hbm>>
      %dma_start3A_635 = tpu.memref_squeeze %dma_start3A_634 : memref<1x16384xf32, #tpu.memory_space<hbm>> -> memref<16384xf32, #tpu.memory_space<hbm>>
      %dma_start3A_636 = tpu.memref_slice %dma_start3A_635[%mul3A_2] : memref<16384xf32, #tpu.memory_space<hbm>> -> memref<512xf32, #tpu.memory_space<hbm>>
      %dma_start3A_637 = arith.constant 0 : i32
      %dma_start3A_638 = tpu.memref_slice %arg18[%run_scoped3A_623, %dma_start3A_637] : memref<6x512xf32, #tpu.memory_space<vmem>> -> memref<1x512xf32, #tpu.memory_space<vmem>>
      %dma_start3A_639 = tpu.memref_squeeze %dma_start3A_638 : memref<1x512xf32, #tpu.memory_space<vmem>> -> memref<512xf32, #tpu.memory_space<vmem>>
      tpu.enqueue_dma source(%dma_start3A_639 : memref<512xf32, #tpu.memory_space<vmem>>) target(%dma_start3A_636 : memref<512xf32, #tpu.memory_space<hbm>>) target_semaphore(%run_scoped3A_625 : memref<!tpu.dma_semaphore, #tpu.memory_space<semaphore_mem>>)
      %dma_wait3A_640 = arith.constant 0 : i32
      %dma_wait3A_641 = tpu.memref_slice %arg18[%run_scoped3A_623, %dma_wait3A_640] : memref<6x512xf32, #tpu.memory_space<vmem>> -> memref<1x512xf32, #tpu.memory_space<vmem>>
      %dma_wait3A_642 = tpu.memref_squeeze %dma_wait3A_641 : memref<1x512xf32, #tpu.memory_space<vmem>> -> memref<512xf32, #tpu.memory_space<vmem>>
      %dma_wait3A_643 = arith.constant 0 : i32
      %dma_wait3A_644 = tpu.memref_slice %arg9[%run_scoped3A_624, %dma_wait3A_643] : memref<6x16384xf32, #tpu.memory_space<hbm>> -> memref<1x16384xf32, #tpu.memory_space<hbm>>
      %dma_wait3A_645 = tpu.memref_squeeze %dma_wait3A_644 : memref<1x16384xf32, #tpu.memory_space<hbm>> -> memref<16384xf32, #tpu.memory_space<hbm>>
      %dma_wait3A_646 = tpu.memref_slice %dma_wait3A_645[%mul3A_2] : memref<16384xf32, #tpu.memory_space<hbm>> -> memref<512xf32, #tpu.memory_space<hbm>>
      %dma_wait3A_647 = arith.constant 0 : i32
      %dma_wait3A_648 = tpu.memref_slice %arg9[%run_scoped3A_624, %dma_wait3A_647] : memref<6x16384xf32, #tpu.memory_space<hbm>> -> memref<1x16384xf32, #tpu.memory_space<hbm>>
      %dma_wait3A_649 = tpu.memref_squeeze %dma_wait3A_648 : memref<1x16384xf32, #tpu.memory_space<hbm>> -> memref<16384xf32, #tpu.memory_space<hbm>>
      %dma_wait3A_650 = tpu.memref_slice %dma_wait3A_649[%mul3A_2] : memref<16384xf32, #tpu.memory_space<hbm>> -> memref<512xf32, #tpu.memory_space<hbm>>
      %dma_wait3A_651 = arith.constant 0 : i32
      %dma_wait3A_652 = tpu.memref_slice %arg18[%run_scoped3A_623, %dma_wait3A_651] : memref<6x512xf32, #tpu.memory_space<vmem>> -> memref<1x512xf32, #tpu.memory_space<vmem>>
      %dma_wait3A_653 = tpu.memref_squeeze %dma_wait3A_652 : memref<1x512xf32, #tpu.memory_space<vmem>> -> memref<512xf32, #tpu.memory_space<vmem>>
      tpu.wait_dma2 semaphore(%run_scoped3A_625 : memref<!tpu.dma_semaphore, #tpu.memory_space<semaphore_mem>>) src(%dma_wait3A_653 : memref<512xf32, #tpu.memory_space<vmem>>) dst(%dma_wait3A_650 : memref<512xf32, #tpu.memory_space<hbm>>)
      tpu.yield
    }) : () -> ()
    "tpu.region"() ({
      %run_scoped3A_625 = tpu.sem_alloc : memref<!tpu.dma_semaphore, #tpu.memory_space<semaphore_mem>>
      %dma_start3A_626 = tpu.memref_slice %arg10[%mul3A_2] : memref<16384xf32, #tpu.memory_space<hbm>> -> memref<512xf32, #tpu.memory_space<hbm>>
      %dma_start3A_627 = tpu.memref_slice %arg10[%mul3A_2] : memref<16384xf32, #tpu.memory_space<hbm>> -> memref<512xf32, #tpu.memory_space<hbm>>
      tpu.enqueue_dma source(%arg19 : memref<512xf32, #tpu.memory_space<vmem>>) target(%dma_start3A_627 : memref<512xf32, #tpu.memory_space<hbm>>) target_semaphore(%run_scoped3A_625 : memref<!tpu.dma_semaphore, #tpu.memory_space<semaphore_mem>>)
      %dma_wait3A_628 = tpu.memref_slice %arg10[%mul3A_2] : memref<16384xf32, #tpu.memory_space<hbm>> -> memref<512xf32, #tpu.memory_space<hbm>>
      %dma_wait3A_629 = tpu.memref_slice %arg10[%mul3A_2] : memref<16384xf32, #tpu.memory_space<hbm>> -> memref<512xf32, #tpu.memory_space<hbm>>
      tpu.wait_dma2 semaphore(%run_scoped3A_625 : memref<!tpu.dma_semaphore, #tpu.memory_space<semaphore_mem>>) src(%arg19 : memref<512xf32, #tpu.memory_space<vmem>>) dst(%dma_wait3A_629 : memref<512xf32, #tpu.memory_space<hbm>>)
      tpu.yield
    }) : () -> ()
    return
  }
}

</mosaic_0001>

<sc_bundles>
// kernel: kernel.3.cloned.1.call-start
scs
__scs_entry_jumppad:
0x0: {  	(pc) =	sbr.rel $0x88, $3  }
0x1: {  	(tag) =	ssettag $0x0;
	lr =	simm.s32 $0x1  }
0x2: {  	[smem:$0x3F9A] =	sst lr;
	_ =	strace $0xD0000000  }
0x3: {  	_ = 	snop  }
0x4: {  	_ = 	snop  }
0x5: {  	_ = 	snop  }
0x6: {  	_ = 	snop  }
0x7: {  	_ = 	snop  }
__scs_overlays_trampoline_lowered:
0x8: {  	[smem:$0x3FA9] =	sst s0  }
0x9: {  	[smem:$0x3FAA] =	sst s1  }
0xa: {  	[smem:$0x3FAB] =	sst s2  }
0xb: {  	[smem:$0x3FAC] =	sst s3  }
0xc: {  	[smem:$0x3FAD] =	sst s4  }
0xd: {  	[smem:$0x3FAE] =	sst s5  }
0xe: {  	[smem:$0x3FAF] =	sst s6  }
0xf: {  	[smem:$0x3FB0] =	sst s7  }
0x10: {  	[smem:$0x3FB1] =	sst s8  }
0x11: {  	[smem:$0x3FB2] =	sst s9;
	s0 =	simm.s32 @!p0 $0x0  }
0x12: {  	s1 =	sld [smem:$0x3F98];
	s0 =	simm.s32 @p0 $0x1  }
0x13: {  	[smem:$0x3FB3] =	sst s0;
	s0 =	simm.s32 @!p1 $0x0  }
0x14: {  	s2 =	sld [smem:$0x3F97];
	s0 =	simm.s32 @p1 $0x1  }
0x15: {  	[smem:$0x3FB4] =	sst s0;
	s0 =	simm.s32 @!p2 $0x0  }
0x16: {  	s3 =	sld [smem:$0x3FDB];
	s0 =	simm.s32 @p2 $0x1  }
0x17: {  	s4 =	simm.s32 $0x1BF5;
	[smem:$0x3FB6] =	sst s0  }
0x18: {  	s0 =	sld [smem:$0x3F99];
	_ =	swait.ge [sflag:s4], $0x0  }
0x19: {  	s7 =	sld [smem:$0x3F9A]  }
0x1a: {  	s8 =	sadd.s32 $0xFFFFE003, lr  }
0x1b: {  	s9 =	sadd.s32 $0xFFFFFEF7, lr;
	s5 =	simm.s32 $0xFFFFFFFF;
	p2 =	slt.u32 s8, $0xFFFFF086  }
0x1c: {  	p1 =	slt.u32 s9, $0xF7A;
	s5 =	simm.s32 @!p2 $0x0  }
0x1d: {  	s5 =	simm.s32 @p1 $0x1;
	p0 =	seq.s32 s7, s2  }
0x1e: {  	s7 =	smul.u32 @!p0 $0xF7A, s2;
	p2 =	seq.s32 @!p0 s5, $0x0  }
0x1f: {  	s9 =	smul.u32 $0xF7A, s1;
	s8 =	simm.s32 @!p0 $0x1BF5;
	p2 =	por !p2, p0  }
0x20: {  	[sflag:s8] =	ssyncset.s32 @!p0 $0xFFFFF086;
	s6 =	sadd.s32 @!p0 s3, s7;
	s7 =	simm.s32 @!p0 $0x108  }
0x21: {  	s3 =	sadd.s32 s3, s9;
	s6 =	sadd.s32 @!p0 $0x88, s6;
	s7 =	simm.s32 @p2 $0x1082  }
0x22: {  	[simem:s7], [sflag:s8] =	dma.local @!p0 [hbm:s6], $0xF7A  }
0x23: {  	s9 =	sor.u32 $0xD0000000, s2;
	s6 =	simm.s32 $0x108;
	_ =	swait.ge @!p0 [sflag:s8], $0x0  }
0x24: {  	s3 =	sadd.s32 $0x88, s3;
	s6 =	simm.s32 @!p1 $0x1082;
	[sflag:s4] =	ssyncset.s32 $0xFFFFF086  }
0x25: {  	[simem:s6], [sflag:s4] =	dma.local [hbm:s3], $0xF7A  }
0x26: {  	[smem:$0x3F9A] =	sst s1;
	(tag) =	ssettag s2;
	_ =	strace s9  }
0x27: {  	s1 =	sld [smem:$0x3FAA]  }
0x28: {  	s2 =	sld [smem:$0x3FAB]  }
0x29: {  	s4 =	sld [smem:$0x3FAD]  }
0x2a: {  	p0 =	seq.s32 s5, $0x0;
	s5 =	sld [smem:$0x3FAE]  }
0x2b: {  	s6 =	sld [smem:$0x3FAF]  }
0x2c: {  	s7 =	sld [smem:$0x3FB0]  }
0x2d: {  	s3 =	simm.s32 $0x108;
	s8 =	sld [smem:$0x3FB1]  }
0x2e: {  	s3 =	simm.s32 @!p0 $0x1082;
	s9 =	sld [smem:$0x3FB2]  }
0x2f: {  	lr =	sadd.s32 s0, s3;
	s0 =	sld [smem:$0x3FA9]  }
0x30: {  	s3 =	sld [smem:$0x3FAC]  }
0x31: {  	[smem:$0x3FB5] =	sst s10  }
0x32: {  	s10 =	sld [smem:$0x3FB3];
	_ =	sdelay $0x3  }
0x33: {  	p0 =	seq.s32 s10, $0x1;
	s10 =	sld [smem:$0x3FB5];
	_ =	sdelay $0x3  }
0x34: {  	[smem:$0x3FB5] =	sst s10  }
0x35: {  	s10 =	sld [smem:$0x3FB4];
	_ =	sdelay $0x3  }
0x36: {  	p1 =	seq.s32 s10, $0x1;
	s10 =	sld [smem:$0x3FB5];
	_ =	sdelay $0x3  }
0x37: {  	[smem:$0x3FB5] =	sst s10  }
0x38: {  	s10 =	sld [smem:$0x3FB6]  }
0x39: {  	_ = 	snop;
	(pc) =	sbr.ind lr, $3  }
0x3a: {  	_ = 	snop  }
0x3b: {  	_ = 	snop  }
0x3c: {  	p2 =	seq.s32 s10, $0x1;
	s10 =	sld [smem:$0x3FB5]  }
0x3d: {  	_ =	shalt  }
0x3e: {  	_ =	shalt  }
0x3f: {  	_ =	shalt  }
0x40: {  	_ =	shalt  }
0x41: {  	_ =	shalt  }
0x42: {  	_ =	shalt  }
0x43: {  	_ =	shalt  }
0x44: {  	_ =	shalt  }
0x45: {  	_ =	shalt  }
0x46: {  	_ =	shalt  }
0x47: {  	_ =	shalt  }
0x48: {  	_ =	shalt  }
0x49: {  	_ =	shalt  }
0x4a: {  	_ =	shalt  }
0x4b: {  	_ =	shalt  }
0x4c: {  	_ =	shalt  }
0x4d: {  	_ =	shalt  }
0x4e: {  	_ =	shalt  }
0x4f: {  	_ =	shalt  }
0x50: {  	_ =	shalt  }
0x51: {  	_ =	shalt  }
0x52: {  	_ =	shalt  }
0x53: {  	_ =	shalt  }
0x54: {  	_ =	shalt  }
0x55: {  	_ =	shalt  }
0x56: {  	_ =	shalt  }
0x57: {  	_ =	shalt  }
0x58: {  	_ =	shalt  }
0x59: {  	_ =	shalt  }
0x5a: {  	_ =	shalt  }
0x5b: {  	_ =	shalt  }
0x5c: {  	_ =	shalt  }
0x5d: {  	_ =	shalt  }
0x5e: {  	_ =	shalt  }
0x5f: {  	_ =	shalt  }
0x60: {  	_ =	shalt  }
0x61: {  	_ =	shalt  }
0x62: {  	_ =	shalt  }
0x63: {  	_ =	shalt  }
0x64: {  	_ =	shalt  }
0x65: {  	_ =	shalt  }
0x66: {  	_ =	shalt  }
0x67: {  	_ =	shalt  }
0x68: {  	_ =	shalt  }
0x69: {  	_ =	shalt  }
0x6a: {  	_ =	shalt  }
0x6b: {  	_ =	shalt  }
0x6c: {  	_ =	shalt  }
0x6d: {  	_ =	shalt  }
0x6e: {  	_ =	shalt  }
0x6f: {  	_ =	shalt  }
0x70: {  	_ =	shalt  }
0x71: {  	_ =	shalt  }
0x72: {  	_ =	shalt  }
0x73: {  	_ =	shalt  }
0x74: {  	_ =	shalt  }
0x75: {  	_ =	shalt  }
0x76: {  	_ =	shalt  }
0x77: {  	_ =	shalt  }
0x78: {  	_ =	shalt  }
0x79: {  	_ =	shalt  }
0x7a: {  	_ =	shalt  }
0x7b: {  	_ =	shalt  }
0x7c: {  	_ =	shalt  }
0x7d: {  	_ =	shalt  }
0x7e: {  	_ =	shalt  }
0x7f: {  	_ =	shalt  }
0x80: {  	_ =	shalt  }
0x81: {  	_ =	shalt  }
0x82: {  	_ =	shalt  }
0x83: {  	_ =	shalt  }
0x84: {  	_ =	shalt  }
0x85: {  	_ =	shalt  }
0x86: {  	_ =	shalt  }
0x87: {  	_ =	shalt  }
.Lfunc_end0:
.L_simem_size_0:
called_computation_lowered:
.L_overlay_start_0:
0x88: {  	s2 =	sld [smem:$0x3FD9]  }
0x89: {  	s3 =	sld [smem:$0x3FFE];
	_ =	sdelay $0x1  }
0x8a: {  	s1 =	srdreg.scid  }
0x8b: {  	s0 =	sand.u32 $0x1, s1  }
0x8c: {  	s14 =	sshll.u32 s0, $0xA;
	s2 =	sadd.s32 s3, s2  }
0x8d: {  	s2 =	sadd.s32 s2, s14  }
0x8e: {  	[smem:$0x3FC1] =	sst s2  }
0x8f: {  	_ = 	snop  }
0x90: {  	s2 =	sld [smem:$0x3FD0]  }
0x91: {  	s15 =	sld [smem:$0x3FC5]  }
0x92: {  	s4 =	sld [smem:$0x3FC4]  }
0x93: {  	s6 =	simm.s32 $0xA;
	s7 =	simm.s32 $0x10;
	s5 =	sld [smem:$0x3FC3]  }
0x94: {  	[smem:s7], [sflag:s6] =	dma.local [hbm:s2], $0x1  }
0x95: {  	_ =	swait.eq [sflag:s6], $0x1  }
0x96: {  	[sflag:s6] =	ssyncset.done $0x0  }
0x97: {  	s16 =	sld [smem:$0x10];
	[sflag:s6] =	ssyncadd.s32 $0xFFFFFFFF  }
0x98: {  	s17 =	sld [smem:$0x11];
	(tm) =	ssettm $0x1  }
0x99: {  	s18 =	sld [smem:$0x3FFB];
	_ =	sdelay $0x3  }
0x9a: {  	_ =	strace s18  }
0x9b: {  	s7 =	sld [smem:$0x3FFC];
	_ =	sdelay $0x3  }
0x9c: {  	_ =	strace s7  }
0x9d: {  	s7 =	sld [smem:$0x3FFD];
	_ =	sdelay $0x3  }
0x9e: {  	_ =	strace s7  }
0x9f: {  	_ =	strace $0x8FFFFFFF  }
0xa0: {  	s19 =	sld [smem:$0x3FDB];
	_ =	sdelay $0x1  }
0xa1: {  	s8 =	simm.s32 $_scs_section_size  }
0xa2: {  	s9 =	simm.s32 $_size__tile_overlayer_lowered;
	s10 =	simm.s32 $_tile_overlayer_lowered  }
0xa3: {  	s22 =	simm.s32 $0x1BFF;
	s21 =	sshll.u32 s10, $0x1;
	s7 =	sadd.s32 s8, s19  }
0xa4: {  	s11 =	simm.s32 $0x0;
	s20 =	sshll.u32 s9, $0x1;
	s9 =	sadd.s32 s21, s7  }
0xa5: {  	[timem:s11], [sflag:s22] =	dma.local [hbm:s9], s20  }
0xa6: {  	_ =	swait.ge [sflag:s22], s20  }
0xa7: {  	s8 =	ssub.s32 $0x0, s20;
	[sflag:s22] =	ssyncset.done $0x0  }
0xa8: {  	[sflag:s22] =	ssyncadd.s32 s8;
	_ =	sdelay $0x1  }
0xa9: {  	s23 =	simm.s32 $0x1B8B  }
0xaa: {  	_ =	swait.ge [sflag:s23], $0x1  }
0xab: {  	[sflag:s23] =	ssyncset.done $0x0  }
0xac: {  	s25 =	simm.s32 $0x1B8E;
	s24 =	sld [smem:$0x3FFE];
	[sflag:s23] =	ssyncadd.s32 $0xFFFFFFFF  }
0xad: {  	s26 =	simm.s32 $execute0_lowered;
	[smem:$0x3FD2] =	sst s25  }
0xae: {  	s9 =	sshll.u32 s26, $0x1;
	_ =	strace $0x80000046;
	[dreg:$0x1] =	wrdreg $0xFFFFFFFF  }
0xaf: {  	s28 =	simm.s32 $_size_execute0_lowered;
	s7 =	sadd.s32 s7, s9;
	[dreg:$0x0] =	wrdreg $0x0  }
0xb0: {  	s9 =	sshll.u32 s28, $0x1;
	[dreg:$0x2] =	wrdreg s7  }
0xb1: {  	[dreg:$0x3] =	wrdreg s9  }
0xb2: {  	[dreg:$0x4] =	wrdreg $0xC0  }
0xb3: {  	_ =	task [dreg:s11], $0x5FFFF  }
0xb4: {  	[dreg:$0x1] =	wrdreg $0xFFFFFFFF  }
0xb5: {  	[dreg:$0x0] =	wrdreg $0x60  }
0xb6: {  	[dreg:$0x2] =	wrdreg s24  }
0xb7: {  	[dreg:$0x3] =	wrdreg s16  }
0xb8: {  	[dreg:$0x4] =	wrdreg s15  }
0xb9: {  	[dreg:$0x5] =	wrdreg s4  }
0xba: {  	[dreg:$0x6] =	wrdreg s5  }
0xbb: {  	[dreg:$0x7] =	wrdreg s17  }
0xbc: {  	[dreg:$0x8] =	wrdreg $0x9  }
0xbd: {  	_ =	task.clear_ibuf [dreg:s11], $0x9FFFF;
	_ =	strace $0x90000046  }
0xbe: {  	s29 =	simm.s32 $0x9;
	_ =	strace $0x80000048  }
0xbf: {  	_ =	swait.ge [sflag:s29], $0x1  }
0xc0: {  	[sflag:s29] =	ssyncadd.s32 $0xFFFFFFFF  }
0xc1: {  	_ =	strace $0x90000048  }
0xc2: {  	_ =	sfence  }
0xc3: {  	s30 =	sld [smem:$0x0];
	_ =	sdelay $0x2  }
0xc4: {  	s31 =	sshll.u32 s1, $0xD;
	s1 =	sshrl.u32 s1, $0x2  }
0xc5: {  	s3 =	sand.u32 $0x4000, s31;
	s1 =	sadd.s32 s1, s30  }
0xc6: {  	s0 =	sor.u32 s3, s0;
	s1 =	sshll.u32 s1, $0x11  }
0xc7: {  	s0 =	sor.u32 s1, s0  }
0xc8: {  	s0 =	sadd.s32 $0x8F2B, s0  }
0xc9: {  	[sflag:s0] =	ssyncadd.remote.s32 $0x1  }
0xca: {  	_ =	sfence.sel $0xFFFF  }
0xcb: {  	[dreg:$0x0] =	wrdreg $0xFFFFFFFF;
	(pc) =	sbr.abs _section_cstart, $3  }
0xcc: {  	[dreg:$0x1] =	wrdreg $0xFFFFFFFF  }
0xcd: {  	_ =	task.clear_ibuf [dreg:s11], $0x2FFFF;
	_ =	strace $0x9FFFFFFF  }
0xce: {  	(tm) =	ssettm $0x7FFFFFFF  }
0xcf: {  	_ =	shalt  }
tec
execute0_lowered:
.L_overlay_start_1:
0x0: {  	(tag) =	ssettag $0x1  }
0x1: {  	s0 =	rddreg [dreg:$0x0]  }
0x2: {  	s1 =	rddreg [dreg:$0x1]  }
0x3: {  	s3 =	rddreg [dreg:$0x3]  }
0x4: {  	s6 =	rddreg [dreg:$0x4]  }
0x5: {  	s7 =	rddreg [dreg:$0x5]  }
0x6: {  	s2 =	simm.s32 $0x0;
	s8 =	srdreg.scid;
	s9 =	stileid.u32  }
0x7: {  	s28 =	simm.s32 $0x400;
	s31 =	simm.s32 $0x600;
	s29 =	simm.s32 $0x480  }
0x8: {  	s30 =	simm.s32 $0x300;
	[smem:$0x7FF] =	sst s2;
	s4 =	sadd.s32 $0x3000, s0  }
0x9: {  	s5 =	sadd.s32 $0x7D200, s0;
	s8 =	sand.u32 $0x1, s8;
	s9 =	sshll.u32 s9, $0x7  }
0xa: {  	s11 =	sadd.s32 $0x1800, s0;
	s23 =	sadd.s32 $0xF7C00, s0;
	s24 =	sadd.s32 $0xF8400, s0  }
0xb: {  	s25 =	sadd.s32 $0xF8C00, s0;
	s26 =	sadd.s32 $0xF9400, s0;
	s10 =	sshll.u32 s8, $0x6  }
0xc: {  	_ =	strace $0x80000047;
	s8 =	ssub.s32 $0x2, s8;
	s9 =	sor.u32 s10, s9  }
0xd: {  	s14 =	sshrl.u32 s8, $0x1;
	s10 =	simm.s32 $0x2;
	s12 =	sadd.s32 s9, s0  }
0xe: {  	s8 =	ssub.s32 s8, s14;
	s3 =	sadd.s32 s3, s9;
	s15 =	sadd.s32 s6, s9  }
0xf: {  	s16 =	sadd.s32 s1, s9;
	s17 =	sor.u32 $0x800, s9;
	[dreg:$0x7] =	wrdreg s3  }
0x10: {  	s18 =	sadd.s32 s11, s9;
	s20 =	sor.u32 $0x1000, s9;
	[dreg:$0x8] =	wrdreg s15  }
0x11: {  	s0 =	sadd.s32 $0xF9C00, s0;
	s6 =	simm.s32 $0x580;
	[dreg:$0x9] =	wrdreg s16  }
0x12: {  	[dreg:$0xa] =	wrdreg s18;
	s19 =	sadd.s32 s1, s17;
	s3 =	sadd.s32 s11, s17  }
0x13: {  	s1 =	sadd.s32 s1, s20;
	s21 =	sadd.s32 s11, s20;
	s22 =	sadd.s32 $0xF7400, s12  }
0x14: {  	s15 =	sadd.s32 s7, s9;
	s16 =	smax.u32 s8, $0x1;
	[dreg:$0xb] =	wrdreg s19  }
0x15: {  	s17 =	simm.s32 $0x3;
	s18 =	simm.s32 $0x80;
	[dreg:$0xc] =	wrdreg s3  }
0x16: {  	s20 =	sadd.s32 s9, s23;
	s23 =	sadd.s32 s9, s26;
	[dreg:$0xd] =	wrdreg s1  }
0x17: {  	s26 =	simm.s32 $0x500;
	s7 =	simm.s32 $0x780;
	[dreg:$0xe] =	wrdreg s21  }
0x18: {  	s8 =	simm.s32 $0x3000;
	s11 =	simm.s32 $0x0;
	[dreg:$0xf] =	wrdreg s22  }
0x19: {  	s19 =	simm.s32 $0x200;
	s21 =	sadd.s32 s9, s24;
	s22 =	sadd.s32 s9, s25  }
0x1a: {  	s24 =	sadd.s32 s9, s0;
	s1 =	simm.s32 $0x280;
	s3 =	simm.s32 $0x680  }
0x1b: {  	s0 =	simm.s32 $0x700;
	s25 =	simm.s32 $0x380;
	s9 =	simm.s32 $0x1  }
.LBB2_1:
0x1c: {  	s12 =	rddreg [dreg:$0x7]  }
0x1d: {  	[tilespmem:s2], [sflag:$0x3] =	stream.linear.gather [hbm4b:s12+s2], $0x200, $0x38;
	[tilespmem:$0x3020] =	vst v63  }
0x1e: {  	_ =	swait.ge [sflag:s17], $0x200  }
0x1f: {  	[sflag:s17] =	ssyncset.done $0x0  }
0x20: {  	s12 =	simm.s32 $0x0;
	[sflag:s17] =	ssyncadd.s32 $0xFFFFFE00  }
0x21: {  	v0 =	vld [tilespmem:s12+$0x0];
	_ =	sdelay $0x3  }
0x22: {  	s13 =	simm.s32 $0x40  }
.LBB2_2:
0x23: {  	s14 =	sshra.s32 s13, $0x2;
	p0 =	sne.s32 s13, $0x7C0;
	s13 =	sadd.s32 $0x40, s13;
	v1 =	vshll.u32 v0, $0x2  }
.Ltmp0:
0x24: {  	v2 =	vand.u32 $0x7F, v0;
	v1 =	vand.u32 $0xFFFFFE00, v1;
	v0 =	vld [tilespmem:s14+$0x0];
	(pc) =	sbr.rel @p0 .LBB2_2-.Ltmp0, $4  }
0x25: {  	v1 =	vor.u32 v2, v1  }
0x26: {  	[tilespmem:s12+$0x200] =	vst v1;
	v2 =	vor.u32 $0x80, v1;
	v1 =	vor.u32 $0x100, v1  }
0x27: {  	[tilespmem:s12+$0x600] =	vst v1  }
0x28: {  	[tilespmem:s12+$0x400] =	vst v2;
	s12 =	smov.u32 s14  }
0x29: {  	v1 =	vshll.u32 v0, $0x2  }
0x2a: {  	v0 =	vand.u32 $0x7F, v0;
	v1 =	vand.u32 $0xFFFFFE00, v1  }
0x2b: {  	v0 =	vor.u32 v0, v1  }
0x2c: {  	[tilespmem:s12+$0x200] =	vst v0;
	v1 =	vor.u32 $0x100, v0  }
0x2d: {  	v0 =	vor.u32 $0x80, v0;
	[tilespmem:s12+$0x600] =	vst v1  }
0x2e: {  	s14 =	simm.s32 $0xA00;
	[tilespmem:s12+$0x400] =	vst v0  }
0x2f: {  	[tilespmem:s14], [sflag:$0x1] =	stream.indirect.gather [hbm4b:s4+s18], $0x1, s19, s18, $0xb8;
	[tilespmem:$0x3020] =	vst v63  }
0x30: {  	s13 =	simm.s32 $0x1000  }
0x31: {  	[tilespmem:s13], [sflag:$0x2] =	stream.indirect.gather [hbm4b:s5+s18], $0x1, s19, s18, $0xb8;
	[tilespmem:$0x3020] =	vst v63  }
0x32: {  	s14 =	simm.s32 $0xC00  }
0x33: {  	[tilespmem:s14], [sflag:$0x1] =	stream.indirect.gather [hbm4b:s4+s18], $0x1, s28, s18, $0xb8;
	[tilespmem:$0x3020] =	vst v63  }
0x34: {  	s13 =	simm.s32 $0x1200  }
0x35: {  	[tilespmem:s13], [sflag:$0x2] =	stream.indirect.gather [hbm4b:s5+s18], $0x1, s28, s18, $0xb8;
	[tilespmem:$0x3020] =	vst v63  }
0x36: {  	s14 =	simm.s32 $0xE00  }
0x37: {  	[tilespmem:s14], [sflag:$0x1] =	stream.indirect.gather [hbm4b:s4+s18], $0x1, s31, s18, $0xb8;
	[tilespmem:$0x3020] =	vst v63  }
0x38: {  	s13 =	simm.s32 $0x1400  }
0x39: {  	[tilespmem:s13], [sflag:$0x2] =	stream.indirect.gather [hbm4b:s5+s18], $0x1, s31, s18, $0xb8;
	[tilespmem:$0x3020] =	vst v63  }
0x3a: {  	s14 =	simm.s32 $0xA80  }
0x3b: {  	[tilespmem:s14], [sflag:$0x1] =	stream.indirect.gather [hbm4b:s4+s18], $0x1, s1, s18, $0xb8;
	[tilespmem:$0x3020] =	vst v63  }
0x3c: {  	s13 =	simm.s32 $0x1080  }
0x3d: {  	[tilespmem:s13], [sflag:$0x2] =	stream.indirect.gather [hbm4b:s5+s18], $0x1, s1, s18, $0xb8;
	[tilespmem:$0x3020] =	vst v63  }
0x3e: {  	s14 =	simm.s32 $0xC80  }
0x3f: {  	[tilespmem:s14], [sflag:$0x1] =	stream.indirect.gather [hbm4b:s4+s18], $0x1, s29, s18, $0xb8;
	[tilespmem:$0x3020] =	vst v63  }
0x40: {  	s13 =	simm.s32 $0x1280  }
0x41: {  	[tilespmem:s13], [sflag:$0x2] =	stream.indirect.gather [hbm4b:s5+s18], $0x1, s29, s18, $0xb8;
	[tilespmem:$0x3020] =	vst v63  }
0x42: {  	s14 =	simm.s32 $0xE80  }
0x43: {  	[tilespmem:s14], [sflag:$0x1] =	stream.indirect.gather [hbm4b:s4+s18], $0x1, s3, s18, $0xb8;
	[tilespmem:$0x3020] =	vst v63  }
0x44: {  	s13 =	simm.s32 $0x1480  }
0x45: {  	[tilespmem:s13], [sflag:$0x2] =	stream.indirect.gather [hbm4b:s5+s18], $0x1, s3, s18, $0xb8;
	[tilespmem:$0x3020] =	vst v63  }
0x46: {  	s14 =	simm.s32 $0xB00  }
0x47: {  	[tilespmem:s14], [sflag:$0x1] =	stream.indirect.gather [hbm4b:s4+s18], $0x1, s30, s18, $0xb8;
	[tilespmem:$0x3020] =	vst v63  }
0x48: {  	s13 =	simm.s32 $0x1100  }
0x49: {  	[tilespmem:s13], [sflag:$0x2] =	stream.indirect.gather [hbm4b:s5+s18], $0x1, s30, s18, $0xb8;
	[tilespmem:$0x3020] =	vst v63  }
0x4a: {  	s14 =	simm.s32 $0xD00  }
0x4b: {  	[tilespmem:s14], [sflag:$0x1] =	stream.indirect.gather [hbm4b:s4+s18], $0x1, s26, s18, $0xb8;
	[tilespmem:$0x3020] =	vst v63  }
0x4c: {  	s13 =	simm.s32 $0x1300  }
0x4d: {  	[tilespmem:s13], [sflag:$0x2] =	stream.indirect.gather [hbm4b:s5+s18], $0x1, s26, s18, $0xb8;
	[tilespmem:$0x3020] =	vst v63  }
0x4e: {  	s14 =	simm.s32 $0xF00  }
0x4f: {  	[tilespmem:s14], [sflag:$0x1] =	stream.indirect.gather [hbm4b:s4+s18], $0x1, s0, s18, $0xb8;
	[tilespmem:$0x3020] =	vst v63  }
0x50: {  	s13 =	simm.s32 $0x1500  }
0x51: {  	[tilespmem:s13], [sflag:$0x2] =	stream.indirect.gather [hbm4b:s5+s18], $0x1, s0, s18, $0xb8;
	[tilespmem:$0x3020] =	vst v63  }
0x52: {  	s14 =	simm.s32 $0xB80  }
0x53: {  	[tilespmem:s14], [sflag:$0x1] =	stream.indirect.gather [hbm4b:s4+s18], $0x1, s25, s18, $0xb8;
	[tilespmem:$0x3020] =	vst v63  }
0x54: {  	s13 =	simm.s32 $0x1180  }
0x55: {  	[tilespmem:s13], [sflag:$0x2] =	stream.indirect.gather [hbm4b:s5+s18], $0x1, s25, s18, $0xb8;
	[tilespmem:$0x3020] =	vst v63  }
0x56: {  	s14 =	simm.s32 $0xD80  }
0x57: {  	[tilespmem:s14], [sflag:$0x1] =	stream.indirect.gather [hbm4b:s4+s18], $0x1, s6, s18, $0xb8;
	[tilespmem:$0x3020] =	vst v63  }
0x58: {  	s13 =	simm.s32 $0x1380  }
0x59: {  	[tilespmem:s13], [sflag:$0x2] =	stream.indirect.gather [hbm4b:s5+s18], $0x1, s6, s18, $0xb8;
	[tilespmem:$0x3020] =	vst v63  }
0x5a: {  	s14 =	simm.s32 $0xF80  }
0x5b: {  	[tilespmem:s14], [sflag:$0x1] =	stream.indirect.gather [hbm4b:s4+s18], $0x1, s7, s18, $0xb8;
	[tilespmem:$0x3020] =	vst v63  }
0x5c: {  	s13 =	simm.s32 $0x1580  }
0x5d: {  	[tilespmem:s13], [sflag:$0x2] =	stream.indirect.gather [hbm4b:s5+s18], $0x1, s7, s18, $0xb8;
	[tilespmem:$0x3020] =	vst v63  }
0x5e: {  	s12 =	simm.s32 $0x0;
	s14 =	simm.s32 $0x800;
	s13 =	rddreg [dreg:$0x8]  }
0x5f: {  	[tilespmem:s14], [sflag:$0x3] =	stream.linear.gather [hbm4b:s13+s12], $0x200, $0x38;
	[tilespmem:$0x3020] =	vst v63  }
0x60: {  	_ =	swait.ge [sflag:s17], $0x200  }
0x61: {  	[sflag:s17] =	ssyncset.done $0x0  }
0x62: {  	s14 =	simm.s32 $0x1600;
	s13 =	rddreg [dreg:$0x9];
	[sflag:s17] =	ssyncadd.s32 $0xFFFFFE00  }
0x63: {  	[tilespmem:s14], [sflag:$0x3] =	stream.linear.gather [hbm4b:s13+s12], $0x200, $0x38;
	[tilespmem:$0x3020] =	vst v63  }
0x64: {  	_ =	swait.ge [sflag:s17], $0x200  }
0x65: {  	[sflag:s17] =	ssyncset.done $0x0  }
0x66: {  	s14 =	simm.s32 $0x1C00;
	s13 =	rddreg [dreg:$0xa];
	[sflag:s17] =	ssyncadd.s32 $0xFFFFFE00  }
0x67: {  	[tilespmem:s14], [sflag:$0x3] =	stream.linear.gather [hbm4b:s13+s12], $0x200, $0x38;
	[tilespmem:$0x3020] =	vst v63  }
0x68: {  	_ =	swait.ge [sflag:s17], $0x200  }
0x69: {  	[sflag:s17] =	ssyncset.done $0x0  }
0x6a: {  	s14 =	simm.s32 $0x1800;
	s13 =	rddreg [dreg:$0xb];
	[sflag:s17] =	ssyncadd.s32 $0xFFFFFE00  }
0x6b: {  	[tilespmem:s14], [sflag:$0x3] =	stream.linear.gather [hbm4b:s13+s12], $0x200, $0x38;
	[tilespmem:$0x3020] =	vst v63  }
0x6c: {  	_ =	swait.ge [sflag:s17], $0x200  }
0x6d: {  	[sflag:s17] =	ssyncset.done $0x0  }
0x6e: {  	s14 =	simm.s32 $0x1E00;
	s13 =	rddreg [dreg:$0xc];
	[sflag:s17] =	ssyncadd.s32 $0xFFFFFE00  }
0x6f: {  	[tilespmem:s14], [sflag:$0x3] =	stream.linear.gather [hbm4b:s13+s12], $0x200, $0x38;
	[tilespmem:$0x3020] =	vst v63  }
0x70: {  	_ =	swait.ge [sflag:s17], $0x200  }
0x71: {  	[sflag:s17] =	ssyncset.done $0x0  }
0x72: {  	s14 =	simm.s32 $0x1A00;
	s13 =	rddreg [dreg:$0xd];
	[sflag:s17] =	ssyncadd.s32 $0xFFFFFE00  }
0x73: {  	[tilespmem:s14], [sflag:$0x3] =	stream.linear.gather [hbm4b:s13+s12], $0x200, $0x38;
	[tilespmem:$0x3020] =	vst v63  }
0x74: {  	_ =	swait.ge [sflag:s17], $0x200  }
0x75: {  	[sflag:s17] =	ssyncset.done $0x0  }
0x76: {  	s14 =	simm.s32 $0x2000;
	s13 =	rddreg [dreg:$0xe];
	[sflag:s17] =	ssyncadd.s32 $0xFFFFFE00  }
0x77: {  	[tilespmem:s14], [sflag:$0x3] =	stream.linear.gather [hbm4b:s13+s12], $0x200, $0x38;
	[tilespmem:$0x3020] =	vst v63  }
0x78: {  	_ =	swait.ge [sflag:s17], $0x200  }
0x79: {  	[sflag:s17] =	ssyncset.done $0x0  }
0x7a: {  	[sflag:s17] =	ssyncadd.s32 $0xFFFFFE00  }
0x7b: {  	s14 =	rddreg [dreg:$0x2]  }
0x7c: {  	[tilespmem:s8], [sflag:$0x3] =	stream.linear.gather [hbm4b:s14+s12], $0x20, $0x38;
	[tilespmem:$0x3020] =	vst v63  }
0x7d: {  	_ =	swait.ge [sflag:s17], $0x20  }
0x7e: {  	[sflag:s17] =	ssyncset.done $0x0  }
0x7f: {  	s12 =	simm.s32 $0x0;
	[sflag:s17] =	ssyncadd.s32 $0xFFFFFFE0  }
0x80: {  	v0 =	vld [tilespmem:s12+$0x800];
	_ =	sdelay $0x7  }
0x81: {  	s13 =	simm.s32 $0x10;
	s14 =	simm.s32 $0x80;
	v0 =	vld.idx.msk [tilespmem:v0+s8+$0x0], $0xffff  }
.LBB2_4:
0x82: {  	p0 =	sne.s32 s14, $0x7C0;
	v1 =	vld [tilespmem:s13+$0x800];
	_ =	sdelay $0x3  }
.Ltmp1:
0x83: {  	(pc) =	sbr.rel @p0 .LBB2_4-.Ltmp1, $2  }
0x84: {  	[tilespmem:s12+$0x2E00] =	vst v0;
	s12 =	smov.u32 s13;
	_ =	sdelay $0x2  }
0x85: {  	s13 =	sshra.s32 s14, $0x2;
	s14 =	sadd.s32 $0x40, s14;
	v0 =	vld.idx.msk [tilespmem:v1+s8+$0x0], $0xffff  }
0x86: {  	v1 =	vld [tilespmem:s13+$0x800];
	_ =	sdelay $0x6  }
0x87: {  	[tilespmem:s12+$0x2E00] =	vst v0  }
0x88: {  	v0 =	vld.idx.msk [tilespmem:v1+s8+$0x0], $0xffff;
	_ =	sdelay $0x4  }
0x89: {  	[tilespmem:s13+$0x2E00] =	vst v0  }
0x8a: {  	_ =	swait.ge [sflag:s9], $0x80  }
0x8b: {  	[sflag:s9] =	ssyncset.done $0x0  }
0x8c: {  	[sflag:s9] =	ssyncadd.s32 $0xFFFFFF80  }
0x8d: {  	_ =	swait.ge [sflag:s10], $0x80  }
0x8e: {  	[sflag:s10] =	ssyncset.done $0x0  }
0x8f: {  	[sflag:s10] =	ssyncadd.s32 $0xFFFFFF80  }
0x90: {  	_ =	swait.ge [sflag:s9], $0x80  }
0x91: {  	[sflag:s9] =	ssyncset.done $0x0  }
0x92: {  	[sflag:s9] =	ssyncadd.s32 $0xFFFFFF80  }
0x93: {  	_ =	swait.ge [sflag:s10], $0x80  }
0x94: {  	[sflag:s10] =	ssyncset.done $0x0  }
0x95: {  	[sflag:s10] =	ssyncadd.s32 $0xFFFFFF80  }
0x96: {  	_ =	swait.ge [sflag:s9], $0x80  }
0x97: {  	[sflag:s9] =	ssyncset.done $0x0  }
0x98: {  	[sflag:s9] =	ssyncadd.s32 $0xFFFFFF80  }
0x99: {  	_ =	swait.ge [sflag:s10], $0x80  }
0x9a: {  	[sflag:s10] =	ssyncset.done $0x0  }
0x9b: {  	[sflag:s10] =	ssyncadd.s32 $0xFFFFFF80  }
0x9c: {  	_ =	swait.ge [sflag:s9], $0x80  }
0x9d: {  	[sflag:s9] =	ssyncset.done $0x0  }
0x9e: {  	[sflag:s9] =	ssyncadd.s32 $0xFFFFFF80  }
0x9f: {  	_ =	swait.ge [sflag:s10], $0x80  }
0xa0: {  	[sflag:s10] =	ssyncset.done $0x0  }
0xa1: {  	[sflag:s10] =	ssyncadd.s32 $0xFFFFFF80  }
0xa2: {  	_ =	swait.ge [sflag:s9], $0x80  }
0xa3: {  	[sflag:s9] =	ssyncset.done $0x0  }
0xa4: {  	[sflag:s9] =	ssyncadd.s32 $0xFFFFFF80  }
0xa5: {  	_ =	swait.ge [sflag:s10], $0x80  }
0xa6: {  	[sflag:s10] =	ssyncset.done $0x0  }
0xa7: {  	[sflag:s10] =	ssyncadd.s32 $0xFFFFFF80  }
0xa8: {  	_ =	swait.ge [sflag:s9], $0x80  }
0xa9: {  	[sflag:s9] =	ssyncset.done $0x0  }
0xaa: {  	[sflag:s9] =	ssyncadd.s32 $0xFFFFFF80  }
0xab: {  	_ =	swait.ge [sflag:s10], $0x80  }
0xac: {  	[sflag:s10] =	ssyncset.done $0x0  }
0xad: {  	[sflag:s10] =	ssyncadd.s32 $0xFFFFFF80  }
0xae: {  	_ =	swait.ge [sflag:s9], $0x80  }
0xaf: {  	[sflag:s9] =	ssyncset.done $0x0  }
0xb0: {  	[sflag:s9] =	ssyncadd.s32 $0xFFFFFF80  }
0xb1: {  	_ =	swait.ge [sflag:s10], $0x80  }
0xb2: {  	[sflag:s10] =	ssyncset.done $0x0  }
0xb3: {  	[sflag:s10] =	ssyncadd.s32 $0xFFFFFF80  }
0xb4: {  	_ =	swait.ge [sflag:s9], $0x80  }
0xb5: {  	[sflag:s9] =	ssyncset.done $0x0  }
0xb6: {  	[sflag:s9] =	ssyncadd.s32 $0xFFFFFF80  }
0xb7: {  	_ =	swait.ge [sflag:s10], $0x80  }
0xb8: {  	[sflag:s10] =	ssyncset.done $0x0  }
0xb9: {  	[sflag:s10] =	ssyncadd.s32 $0xFFFFFF80  }
0xba: {  	_ =	swait.ge [sflag:s9], $0x80  }
0xbb: {  	[sflag:s9] =	ssyncset.done $0x0  }
0xbc: {  	[sflag:s9] =	ssyncadd.s32 $0xFFFFFF80  }
0xbd: {  	_ =	swait.ge [sflag:s10], $0x80  }
0xbe: {  	[sflag:s10] =	ssyncset.done $0x0  }
0xbf: {  	[sflag:s10] =	ssyncadd.s32 $0xFFFFFF80  }
0xc0: {  	_ =	swait.ge [sflag:s9], $0x80  }
0xc1: {  	[sflag:s9] =	ssyncset.done $0x0  }
0xc2: {  	[sflag:s9] =	ssyncadd.s32 $0xFFFFFF80  }
0xc3: {  	_ =	swait.ge [sflag:s10], $0x80  }
0xc4: {  	[sflag:s10] =	ssyncset.done $0x0  }
0xc5: {  	[sflag:s10] =	ssyncadd.s32 $0xFFFFFF80  }
0xc6: {  	_ =	swait.ge [sflag:s9], $0x80  }
0xc7: {  	[sflag:s9] =	ssyncset.done $0x0  }
0xc8: {  	[sflag:s9] =	ssyncadd.s32 $0xFFFFFF80  }
0xc9: {  	_ =	swait.ge [sflag:s10], $0x80  }
0xca: {  	[sflag:s10] =	ssyncset.done $0x0  }
0xcb: {  	[sflag:s10] =	ssyncadd.s32 $0xFFFFFF80  }
0xcc: {  	_ =	swait.ge [sflag:s9], $0x80  }
0xcd: {  	[sflag:s9] =	ssyncset.done $0x0  }
0xce: {  	[sflag:s9] =	ssyncadd.s32 $0xFFFFFF80  }
0xcf: {  	_ =	swait.ge [sflag:s10], $0x80  }
0xd0: {  	[sflag:s10] =	ssyncset.done $0x0  }
0xd1: {  	s12 =	simm.s32 $0xFFFFFE00;
	[sflag:s10] =	ssyncadd.s32 $0xFFFFFF80  }
0xd2: {  	v0 =	vld [tilespmem:s12+$0x1600]  }
0xd3: {  	v1 =	vld [tilespmem:s12+$0x2200]  }
0xd4: {  	v2 =	vld [tilespmem:s12+$0xC00]  }
0xd5: {  	v3 =	vld [tilespmem:s12+$0x1800]  }
0xd6: {  	v4 =	vld [tilespmem:s12+$0xE00]  }
0xd7: {  	v5 =	vld [tilespmem:s12+$0x1A00]  }
0xd8: {  	v6 =	vld [tilespmem:s12+$0x1000]  }
0xd9: {  	v7 =	vld [tilespmem:s12+$0x1C00]  }
0xda: {  	v1 =	vadd.f32 v1, v0;
	v0 =	vld [tilespmem:s12+$0x1200]  }
0xdb: {  	v2 =	vadd.f32 v3, v2;
	v3 =	vld [tilespmem:s12+$0x1E00]  }
0xdc: {  	v5 =	vadd.f32 v5, v4;
	v4 =	vld [tilespmem:s12+$0x2000];
	[tilespmem:s12+$0x2E00] =	vst v1  }
0xdd: {  	s13 =	simm.s32 $0xFFFFFE10;
	[tilespmem:s12+$0x2400] =	vst v2;
	v1 =	vld [tilespmem:s12+$0x1400]  }
0xde: {  	s14 =	simm.s32 $0xFFFFF880;
	v2 =	vld [tilespmem:s13+$0x1600];
	[tilespmem:s12+$0x2600] =	vst v5;
	v5 =	vadd.f32 v7, v6  }
.LBB2_6:
0xdf: {  	p0 =	sne.s32 s14, $0xFFFFFFC0;
	v6 =	vld [tilespmem:s13+$0x2200]  }
0xe0: {  	v7 =	vld [tilespmem:s13+$0xC00];
	[tilespmem:s12+$0x2800] =	vst v5;
	v0 =	vadd.f32 v3, v0  }
0xe1: {  	v3 =	vld [tilespmem:s13+$0x1800]  }
0xe2: {  	v5 =	vld [tilespmem:s13+$0xE00];
	[tilespmem:s12+$0x2A00] =	vst v0;
	v0 =	vadd.f32 v4, v1  }
0xe3: {  	v1 =	vld [tilespmem:s13+$0x1A00]  }
0xe4: {  	v8 =	vld [tilespmem:s13+$0x1000];
	v2 =	vadd.f32 v6, v2;
	[tilespmem:s12+$0x2C00] =	vst v0;
	s12 =	smov.u32 s13  }
0xe5: {  	v6 =	vld [tilespmem:s12+$0x1C00]  }
.Ltmp2:
0xe6: {  	v4 =	vadd.f32 v3, v7;
	v0 =	vld [tilespmem:s12+$0x1200];
	[tilespmem:s12+$0x2E00] =	vst v2;
	(pc) =	sbr.rel @p0 .LBB2_6-.Ltmp2, $4  }
0xe7: {  	v3 =	vld [tilespmem:s12+$0x1E00]  }
0xe8: {  	[tilespmem:s12+$0x2400] =	vst v4;
	v5 =	vadd.f32 v1, v5;
	v1 =	vld [tilespmem:s12+$0x1400]  }
0xe9: {  	s13 =	sshra.s32 s14, $0x2;
	v4 =	vld [tilespmem:s12+$0x2000]  }
0xea: {  	s14 =	sadd.s32 $0x40, s14;
	v2 =	vld [tilespmem:s13+$0x1600];
	[tilespmem:s12+$0x2600] =	vst v5;
	v5 =	vadd.f32 v6, v8  }
0xeb: {  	v6 =	vld [tilespmem:s13+$0x2200]  }
0xec: {  	v7 =	vld [tilespmem:s13+$0xC00];
	[tilespmem:s12+$0x2800] =	vst v5;
	v0 =	vadd.f32 v3, v0  }
0xed: {  	v53 =	vld [tilespmem:s13+$0x1800]  }
0xee: {  	v5 =	vld [tilespmem:s13+$0xE00];
	[tilespmem:s12+$0x2A00] =	vst v0;
	v54 =	vadd.f32 v4, v1  }
0xef: {  	v55 =	vld [tilespmem:s13+$0x1A00]  }
0xf0: {  	v56 =	vld [tilespmem:s13+$0x1000];
	[tilespmem:s12+$0x2C00] =	vst v54  }
0xf1: {  	v58 =	vld [tilespmem:s13+$0x1C00]  }
0xf2: {  	v59 =	vld [tilespmem:s13+$0x1200]  }
0xf3: {  	v60 =	vld [tilespmem:s13+$0x1E00]  }
0xf4: {  	v61 =	vld [tilespmem:s13+$0x1400]  }
0xf5: {  	v57 =	vadd.f32 v6, v2;
	v62 =	vld [tilespmem:s13+$0x2000]  }
0xf6: {  	v3 =	vadd.f32 v53, v7  }
0xf7: {  	[tilespmem:s13+$0x2E00] =	vst v57;
	v1 =	vadd.f32 v55, v5  }
0xf8: {  	[tilespmem:s13+$0x2400] =	vst v3;
	v2 =	vadd.f32 v58, v56  }
0xf9: {  	[tilespmem:s13+$0x2600] =	vst v1;
	v0 =	vadd.f32 v60, v59  }
0xfa: {  	v63 =	vadd.f32 v62, v61;
	[tilespmem:s13+$0x2800] =	vst v2  }
0xfb: {  	[tilespmem:s13+$0x2A00] =	vst v0  }
0xfc: {  	s14 =	simm.s32 $0x2200;
	[tilespmem:s13+$0x2C00] =	vst v63;
	s13 =	rddreg [dreg:$0xf]  }
0xfd: {  	[hbm4b:s13+s2] =	stream.linear.scatter [tilespmem:s14], [sflag:$0x3], $0x200, $0x38;
	[tilespmem:$0x3020] =	vst v63  }
0xfe: {  	_ =	swait.ge [sflag:s17], $0x200  }
0xff: {  	[sflag:s17] =	ssyncset.done $0x0  }
0x100: {  	s13 =	simm.s32 $0x2400;
	[sflag:s17] =	ssyncadd.s32 $0xFFFFFE00  }
0x101: {  	[hbm4b:s20+s2] =	stream.linear.scatter [tilespmem:s13], [sflag:$0x3], $0x200, $0x38;
	[tilespmem:$0x3020] =	vst v63  }
0x102: {  	_ =	swait.ge [sflag:s17], $0x200  }
0x103: {  	[sflag:s17] =	ssyncset.done $0x0  }
0x104: {  	s14 =	simm.s32 $0x2600;
	[sflag:s17] =	ssyncadd.s32 $0xFFFFFE00  }
0x105: {  	[hbm4b:s21+s2] =	stream.linear.scatter [tilespmem:s14], [sflag:$0x3], $0x200, $0x38;
	[tilespmem:$0x3020] =	vst v63  }
0x106: {  	_ =	swait.ge [sflag:s17], $0x200  }
0x107: {  	[sflag:s17] =	ssyncset.done $0x0  }
0x108: {  	s13 =	simm.s32 $0x2800;
	[sflag:s17] =	ssyncadd.s32 $0xFFFFFE00  }
0x109: {  	[hbm4b:s22+s2] =	stream.linear.scatter [tilespmem:s13], [sflag:$0x3], $0x200, $0x38;
	[tilespmem:$0x3020] =	vst v63  }
0x10a: {  	_ =	swait.ge [sflag:s17], $0x200  }
0x10b: {  	[sflag:s17] =	ssyncset.done $0x0  }
0x10c: {  	s14 =	simm.s32 $0x2A00;
	[sflag:s17] =	ssyncadd.s32 $0xFFFFFE00  }
0x10d: {  	[hbm4b:s23+s2] =	stream.linear.scatter [tilespmem:s14], [sflag:$0x3], $0x200, $0x38;
	[tilespmem:$0x3020] =	vst v63  }
0x10e: {  	_ =	swait.ge [sflag:s17], $0x200  }
0x10f: {  	[sflag:s17] =	ssyncset.done $0x0  }
0x110: {  	s13 =	simm.s32 $0x2C00;
	[sflag:s17] =	ssyncadd.s32 $0xFFFFFE00  }
0x111: {  	[hbm4b:s24+s2] =	stream.linear.scatter [tilespmem:s13], [sflag:$0x3], $0x200, $0x38;
	[tilespmem:$0x3020] =	vst v63  }
0x112: {  	s11 =	sadd.s32 $0x1, s11;
	_ =	swait.ge [sflag:s17], $0x200  }
0x113: {  	p0 =	sne.s32 s11, s16;
	[sflag:s17] =	ssyncset.done $0x0  }
.Ltmp3:
0x114: {  	s14 =	simm.s32 $0x2E00;
	[sflag:s17] =	ssyncadd.s32 $0xFFFFFE00;
	(pc) =	sbr.rel @p0 .LBB2_1-.Ltmp3, $4  }
0x115: {  	[hbm4b:s15+s2] =	stream.linear.scatter [tilespmem:s14], [sflag:$0x3], $0x200, $0x38;
	[tilespmem:$0x3020] =	vst v63  }
0x116: {  	_ =	swait.ge [sflag:s17], $0x200  }
0x117: {  	[sflag:s17] =	ssyncset.done $0x0  }
0x118: {  	[sflag:s17] =	ssyncadd.s32 $0xFFFFFE00  }
0x119: {  	_ =	sfence.sel $0x180000  }
0x11a: {  	[bflag:$0x0] =	sbarrier.arrive $0xFFFF  }
0x11b: {  	_ =	strace $0x90000047  }
0x11c: {  	s0 =	stileid.u32;
	[bflag:$0x2] =	sbarrier.arrive $0xFFFF  }
0x11d: {  	p0 =	sne.s32 s0, $0x0;
	s0 =	rddreg [dreg:$0x6]  }
0x11e: {  	s0 =	sadd.s32 @!p0 $0x100000, s0  }
0x11f: {  	[sflag:s0] =	ssyncadd.tile.s32 @!p0 $0x1;
	_ =	shalt  }
.Lfunc_end2:
_tile_overlayer_lowered:
.L_overlay_start_2:
0x120: {  	(tag) =	ssettag $0x2  }
0x121: {  	s0 =	rddreg [dreg:$0x0];
	s2 =	stileid.u32  }
0x122: {  	s1 =	rddreg [dreg:$0x1];
	p0 =	sne.s32 s2, $0x0  }
0x123: {  	s3 =	rddreg [dreg:$0x2];
	[bflag:$0x3] =	sbarrier.arrive $0xFFFF;
	s2 =	simm.s32 @!p0 $0x1C03  }
0x124: {  	[timem:s3], [sflag:s2] =	dma.local @!p0 [hbm:s0], s1  }
0x125: {  	s0 =	simm.s32 @!p0 $0x3  }
0x126: {  	_ =	swait.ge @!p0 [sflag:s0], s1  }
0x127: {  	s1 =	ssub.s32 @!p0 $0x0, s1;
	[sflag:s0] =	ssyncset.done @!p0 $0x0  }
0x128: {  	[sflag:s0] =	ssyncadd.s32 @!p0 s1  }
0x129: {  	[bflag:$0x3] =	sbarrier.arrive $0xFFFF  }
0x12a: {  	_ =	shalt  }

</sc_bundles>
